<compile_context>
chip_gen: v7x
topology: tpu7x:2x2x1
jax: 0.10.2.dev20260603
libtpu: 0.0.44.dev20260713+nightly
codegen_flags: <defaults>
</compile_context>

<pallas_src>
import jax
import jax.numpy as jnp
from jax import lax
from jax.experimental import pallas as pl
from jax.experimental.pallas import tpu as pltpu
from jax.experimental.pallas import tpu_sc as plsc

N = 10000
E = 320000
D_IN = 128
H1 = 128
H2 = 64
NPG = 100
OUT_DIM = 10

NP = 10240
DUMMY = N
CHUNK = 128
NCHUNK = 2560
EP = NCHUNK * CHUNK
NC = 2
NS = 16
RPT = NP // NS
RB = 1280
GRID = NP // RB

_mesh = plsc.VectorSubcoreMesh(core_axis_name="c", subcore_axis_name="s")
_f32 = jnp.float32
_sc_params = pltpu.CompilerParams(use_tc_tiling_on_sc=False)


def _make_deg():
  cpt = NCHUNK // (NC * NS)

  def body(dst_hbm, ones_hbm, zeros_hbm, deg_out, ones_v, dsts_v, deg_sh):
    c = lax.axis_index("c")
    s = lax.axis_index("s")
    wid = s * NC + c
    pltpu.sync_copy(zeros_hbm.at[pl.ds(s * RPT, RPT)],
                    deg_sh.at[pl.ds(s * RPT, RPT)])
    pltpu.sync_copy(ones_hbm, ones_v)
    pltpu.sync_copy(dst_hbm.at[pl.ds(wid * cpt, cpt)], dsts_v)
    plsc.subcore_barrier()

    def chunk(j, carry):
      pltpu.sync_copy(ones_v, deg_sh.at[dsts_v.at[j]], add=True)
      return carry

    lax.fori_loop(0, cpt, chunk, 0)
    plsc.subcore_barrier()
    pltpu.sync_copy(deg_sh.at[pl.ds(s * RPT, RPT)],
                    deg_out.at[c, pl.ds(s * RPT, RPT)])

  return pl.kernel(
      body,
      out_type=jax.ShapeDtypeStruct((NC, NP), _f32),
      mesh=_mesh,
      scratch_types=[
          pltpu.VMEM((CHUNK,), _f32),
          pltpu.VMEM((cpt, CHUNK), jnp.int32),
          pltpu.VMEM_SHARED((NP,), _f32),
      ],
  )


_deg_call = _make_deg()


def _make_agg(width):
  cpt = NCHUNK // NS
  nidx = 32
  ngrp = cpt // nidx

  def body(hs_hbm, src_hbm, dst_hbm, out_hbm,
           srcs_v, dsts_v, rows0, rows1, rows2, rows3,
           semg0, semg1, semg2, semg3, sems0, sems1, sems2, sems3,
           tab_sh, acc_sh):
    c = lax.axis_index("c")
    s = lax.axis_index("s")
    r0 = s * RPT
    pltpu.sync_copy(hs_hbm.at[c, pl.ds(r0, RPT)], tab_sh.at[pl.ds(r0, RPT)])
    pltpu.sync_copy(hs_hbm.at[c, pl.ds(r0, RPT)], acc_sh.at[pl.ds(r0, RPT)])
    plsc.subcore_barrier()
    base = s * cpt

    def start_g(buf, idx_row, semg):
      return pltpu.async_copy(tab_sh.at[idx_row], buf, semg)

    def wait_g(buf, semg):
      pltpu.make_async_copy(tab_sh.at[pl.ds(0, CHUNK)], buf, semg).wait()

    def start_s(buf, idx_row, sems):
      return pltpu.async_copy(buf, acc_sh.at[idx_row], sems, add=True)

    def wait_s(buf, sems):
      pltpu.make_async_copy(buf, acc_sh.at[pl.ds(0, CHUNK)], sems).wait()

    bufs = ((rows0, semg0, sems0), (rows1, semg1, sems1),
            (rows2, semg2, sems2), (rows3, semg3, sems3))
    nb = len(bufs)

    def group(g, carry):
      gbase = base + g * nidx
      pltpu.sync_copy(src_hbm.at[pl.ds(gbase, nidx)], srcs_v)
      pltpu.sync_copy(dst_hbm.at[pl.ds(gbase, nidx)], dsts_v)
      for b, (buf, sg, _) in enumerate(bufs):
        start_g(buf, srcs_v.at[b], sg)

      def quad(k, c2):
        j = nb * k + nb
        for b, (buf, sg, ss) in enumerate(bufs):
          wait_g(buf, sg)
          start_s(buf, dsts_v.at[j - nb + b], ss)
        for b, (buf, sg, ss) in enumerate(bufs):
          wait_s(buf, ss)
          start_g(buf, srcs_v.at[j + b], sg)
        return c2

      lax.fori_loop(0, nidx // nb - 1, quad, 0)
      for b, (buf, sg, ss) in enumerate(bufs):
        wait_g(buf, sg)
        start_s(buf, dsts_v.at[nidx - nb + b], ss)
      for b, (buf, sg, ss) in enumerate(bufs):
        wait_s(buf, ss)
      return carry

    lax.fori_loop(0, ngrp, group, 0)
    plsc.subcore_barrier()
    pltpu.sync_copy(acc_sh.at[pl.ds(r0, RPT)], out_hbm.at[c, pl.ds(r0, RPT)])

  return pl.kernel(
      body,
      out_type=jax.ShapeDtypeStruct((NC, NP, width), _f32),
      mesh=_mesh,
      compiler_params=_sc_params,
      scratch_types=[
          pltpu.VMEM((nidx, CHUNK), jnp.int32),
          pltpu.VMEM((nidx, CHUNK), jnp.int32),
          pltpu.VMEM((CHUNK, width), _f32),
          pltpu.VMEM((CHUNK, width), _f32),
          pltpu.VMEM((CHUNK, width), _f32),
          pltpu.VMEM((CHUNK, width), _f32),
          pltpu.SemaphoreType.DMA,
          pltpu.SemaphoreType.DMA,
          pltpu.SemaphoreType.DMA,
          pltpu.SemaphoreType.DMA,
          pltpu.SemaphoreType.DMA,
          pltpu.SemaphoreType.DMA,
          pltpu.SemaphoreType.DMA,
          pltpu.SemaphoreType.DMA,
          pltpu.VMEM_SHARED((NP, width), _f32),
          pltpu.VMEM_SHARED((NP, width), _f32),
      ],
  )


_agg64 = _make_agg(H1 // NC)
_agg32 = _make_agg(H2 // NC)


def _k2_body(deg_ref, x_ref, w1_ref, hs_ref, dinv_ref):
  d = deg_ref[...]
  deg = d[0] + d[1] + 1.0
  dinv = lax.rsqrt(deg)[:, None]
  h = jnp.dot(x_ref[...], w1_ref[...], preferred_element_type=_f32)
  hs = h * dinv
  hs_ref[0] = hs[:, : H1 // 2]
  hs_ref[1] = hs[:, H1 // 2:]
  dinv_ref[...] = dinv


def _k2_call(degp, xp, W1):
  return pl.pallas_call(
      _k2_body,
      grid=(GRID,),
      in_specs=[
          pl.BlockSpec((NC, RB), lambda i: (0, i)),
          pl.BlockSpec((RB, D_IN), lambda i: (i, 0)),
          pl.BlockSpec((D_IN, H1), lambda i: (0, 0)),
      ],
      out_specs=[
          pl.BlockSpec((NC, RB, H1 // 2), lambda i: (0, i, 0)),
          pl.BlockSpec((RB, 1), lambda i: (i, 0)),
      ],
      out_shape=[
          jax.ShapeDtypeStruct((NC, NP, H1 // 2), _f32),
          jax.ShapeDtypeStruct((NP, 1), _f32),
      ],
  )(degp, xp, W1)


def _k4_body(agg_ref, dinv_ref, b1_ref, w2_ref, out_ref):
  a = agg_ref[...]
  agg = jnp.concatenate([a[0], a[1]], axis=1)
  dinv = dinv_ref[...]
  h1 = jnp.maximum(agg * dinv + b1_ref[...], 0.0)
  gs = jnp.dot(h1, w2_ref[...], preferred_element_type=_f32) * dinv
  out_ref[0] = gs[:, : H2 // 2]
  out_ref[1] = gs[:, H2 // 2:]


def _k4_call(agg1, dinv, b1, W2):
  return pl.pallas_call(
      _k4_body,
      grid=(GRID,),
      in_specs=[
          pl.BlockSpec((NC, RB, H1 // 2), lambda i: (0, i, 0)),
          pl.BlockSpec((RB, 1), lambda i: (i, 0)),
          pl.BlockSpec((1, H1), lambda i: (0, 0)),
          pl.BlockSpec((H1, H2), lambda i: (0, 0)),
      ],
      out_specs=pl.BlockSpec((NC, RB, H2 // 2), lambda i: (0, i, 0)),
      out_shape=jax.ShapeDtypeStruct((NC, NP, H2 // 2), _f32),
  )(agg1, dinv, b1, W2)


def _k6_body(agg_ref, dinv_ref, b2_ref, out_ref):
  a = agg_ref[...]
  agg = jnp.concatenate([a[0], a[1]], axis=1)
  h2 = agg * dinv_ref[...] + b2_ref[...]
  out_ref[...] = jnp.maximum(h2, 0.0)


def _k6_call(agg2, dinv, b2):
  return pl.pallas_call(
      _k6_body,
      grid=(GRID,),
      in_specs=[
          pl.BlockSpec((NC, RB, H2 // 2), lambda i: (0, i, 0)),
          pl.BlockSpec((RB, 1), lambda i: (i, 0)),
          pl.BlockSpec((1, H2), lambda i: (0, 0)),
      ],
      out_specs=pl.BlockSpec((RB, H2), lambda i: (i, 0)),
      out_shape=jax.ShapeDtypeStruct((NP, H2), _f32),
  )(agg2, dinv, b2)


def _head_body(z_ref, wl_ref, bl_ref, out_ref):
  logits = jnp.dot(z_ref[...], wl_ref[...], preferred_element_type=_f32)
  logits = logits + bl_ref[...]
  m = jnp.max(logits, axis=1, keepdims=True)
  lse = jnp.log(jnp.sum(jnp.exp(logits - m), axis=1, keepdims=True)) + m
  out_ref[...] = logits - lse


def _head_call(z, Wl, bl):
  return pl.pallas_call(
      _head_body,
      out_shape=jax.ShapeDtypeStruct((NPG, OUT_DIM), _f32),
  )(z, Wl, bl)


def kernel(x, edge_index, W1, b1, W2, b2, Wl, bl):
  xp = jnp.concatenate([x, jnp.zeros((NP - N, D_IN), _f32)], axis=0)
  pad = jnp.full((EP - E,), DUMMY, jnp.int32)
  src2 = jnp.concatenate([edge_index[0], pad]).reshape(NCHUNK, CHUNK)
  dst2 = jnp.concatenate([edge_index[1], pad]).reshape(NCHUNK, CHUNK)
  ones_rows = jnp.ones((CHUNK,), _f32)
  zeros_deg = jnp.zeros((NP,), _f32)

  degp = _deg_call(dst2, ones_rows, zeros_deg)
  hs, dinv = _k2_call(degp, xp, W1)
  agg1 = _agg64(hs, src2, dst2)
  gs = _k4_call(agg1, dinv, b1.reshape(1, H1), W2)
  agg2 = _agg32(gs, src2, dst2)
  h2 = _k6_call(agg2, dinv, b2.reshape(1, H2))
  z = h2[:N].reshape(NPG, H2 * NPG)
  return _head_call(z, Wl, bl.reshape(1, OUT_DIM))

# --- scband reference (transcript-rebuilt; emitter-appended) ---
"""Pipeline reference for scband-graph-classifier-7249904795692 (READ-ONLY COPY).

The authoritative reference and input builder live on the scoring server;
editing this copy changes nothing except your own understanding.
"""

import jax, jax.numpy as jnp
import numpy as np

N_NODES = 10000
N_EDGES = 320000
D_IN = 128
H1 = 128
H2 = 64
NPG = 100
OUT_DIM = 10


def setup_inputs(seed: int = 0) -> dict:
    key = jax.random.key(seed)
    ks = jax.random.split(key, 8)
    x = jax.random.normal(ks[0], (N_NODES, D_IN), dtype=jnp.float32)
    edge_index = jax.random.randint(ks[1], (2, N_EDGES), 0, N_NODES, dtype=jnp.int32)
    W1 = jax.random.normal(ks[2], (D_IN, H1), dtype=jnp.float32) * (1.0 / np.sqrt(D_IN))
    b1 = jnp.zeros((H1,), dtype=jnp.float32)
    W2 = jax.random.normal(ks[3], (H1, H2), dtype=jnp.float32) * (1.0 / np.sqrt(H1))
    b2 = jnp.zeros((H2,), dtype=jnp.float32)
    Wl = jax.random.normal(ks[4], (H2 * NPG, OUT_DIM), dtype=jnp.float32) * (1.0 / np.sqrt(H2 * NPG))
    bl = jnp.zeros((OUT_DIM,), dtype=jnp.float32)
    return {"x": x, "edge_index": edge_index, "W1": W1, "b1": b1, "W2": W2, "b2": b2, "Wl": Wl, "bl": bl}


def _gcn_conv(x, src, dst, W, b):
    # PyG-style GCNConv: add self-loops, symmetric normalization, scatter-add aggregation
    h = x @ W
    deg = jax.ops.segment_sum(jnp.ones_like(dst, dtype=h.dtype), dst, num_segments=N_NODES)
    deg_inv_sqrt = jnp.where(deg > 0, 1.0 / jnp.sqrt(deg), 0.0)
    norm = deg_inv_sqrt[src] * deg_inv_sqrt[dst]
    msg = h[src] * norm[:, None]
    out = jax.ops.segment_sum(msg, dst, num_segments=N_NODES)
    return out + b


def reference(x, edge_index, W1, b1, W2, b2, Wl, bl):
    loop = jnp.arange(N_NODES, dtype=edge_index.dtype)
    src = jnp.concatenate([edge_index[0], loop])
    dst = jnp.concatenate([edge_index[1], loop])
    h = _gcn_conv(x, src, dst, W1, b1)
    h = jax.nn.relu(h)
    h = _gcn_conv(h, src, dst, W2, b2)
    # dropout is identity in eval mode (training=False)
    h = h.reshape(-1, H2 * NPG)
    h = jax.nn.relu(h)
    logits = h @ Wl + bl
    return jax.nn.log_softmax(logits, axis=1)

if __name__ == "__main__":
    import jax
    _d = setup_inputs()
    print(jax.jit(kernel)(*tuple(_d.values())))

</pallas_src>

<mosaic_0001>
#map = affine_map<(d0, d1) -> (0, 0, 0)>
#map1 = affine_map<(d0, d1) -> (0, 0)>
module attributes {stable_mosaic.version = 14 : i64} {
  func.func @body(%arg0: i32, %arg1: i32, %arg2: memref<2x10240x32xf32, #tpu.memory_space<hbm>>, %arg3: memref<2560x128xi32, #tpu.memory_space<hbm>>, %arg4: memref<2560x128xi32, #tpu.memory_space<hbm>>, %arg5: memref<2x10240x32xf32, #tpu.memory_space<hbm>>, %arg6: memref<32x128xi32, #tpu.memory_space<vmem>>, %arg7: memref<32x128xi32, #tpu.memory_space<vmem>>, %arg8: memref<128x32xf32, #tpu.memory_space<vmem>>, %arg9: memref<128x32xf32, #tpu.memory_space<vmem>>, %arg10: memref<128x32xf32, #tpu.memory_space<vmem>>, %arg11: memref<128x32xf32, #tpu.memory_space<vmem>>, %arg12: memref<!tpu.dma_semaphore, #tpu.memory_space<semaphore_mem>>, %arg13: memref<!tpu.dma_semaphore, #tpu.memory_space<semaphore_mem>>, %arg14: memref<!tpu.dma_semaphore, #tpu.memory_space<semaphore_mem>>, %arg15: memref<!tpu.dma_semaphore, #tpu.memory_space<semaphore_mem>>, %arg16: memref<!tpu.dma_semaphore, #tpu.memory_space<semaphore_mem>>, %arg17: memref<!tpu.dma_semaphore, #tpu.memory_space<semaphore_mem>>, %arg18: memref<!tpu.dma_semaphore, #tpu.memory_space<semaphore_mem>>, %arg19: memref<!tpu.dma_semaphore, #tpu.memory_space<semaphore_mem>>, %arg20: memref<10240x32xf32, #tpu.memory_space<vmem_shared>>, %arg21: memref<10240x32xf32, #tpu.memory_space<vmem_shared>>) attributes {dimension_semantics = [#tpu.dimension_semantics<core_parallel>, #tpu.dimension_semantics<subcore_parallel>], iteration_bounds = array<i64: 2, 16>, scalar_prefetch = 0 : i64, scratch_operands = 16 : i64, tpu.core_type = #tpu.core_type<sc_vector_subcore>, window_params = [{transform_indices = #map}, {transform_indices = #map1}, {transform_indices = #map1}, {transform_indices = #map}]} {
    %mul3A = arith.constant 640 : i32
    %mul3A_0 = arith.muli %arg1, %mul3A : i32
    "tpu.region"() ({
      %run_scoped3A = tpu.sem_alloc : memref<!tpu.dma_semaphore, #tpu.memory_space<semaphore_mem>>
      %dma_start3A = arith.constant 0 : i32
      %dma_start3A_9 = tpu.memref_slice %arg20[%mul3A_0, %dma_start3A] : memref<10240x32xf32, #tpu.memory_space<vmem_shared>> -> memref<640x32xf32, #tpu.memory_space<vmem_shared>>
      %dma_start3A_10 = arith.constant 0 : i32
      %dma_start3A_11 = tpu.memref_slice %arg2[%arg0, %mul3A_0, %dma_start3A_10] : memref<2x10240x32xf32, #tpu.memory_space<hbm>> -> memref<1x640x32xf32, #tpu.memory_space<hbm>>
      %dma_start3A_12 = tpu.memref_squeeze %dma_start3A_11 : memref<1x640x32xf32, #tpu.memory_space<hbm>> -> memref<640x32xf32, #tpu.memory_space<hbm>>
      tpu.enqueue_dma source(%dma_start3A_12 : memref<640x32xf32, #tpu.memory_space<hbm>>) target(%dma_start3A_9 : memref<640x32xf32, #tpu.memory_space<vmem_shared>>) target_semaphore(%run_scoped3A : memref<!tpu.dma_semaphore, #tpu.memory_space<semaphore_mem>>)
      %dma_wait3A = arith.constant 0 : i32
      %dma_wait3A_13 = tpu.memref_slice %arg20[%mul3A_0, %dma_wait3A] : memref<10240x32xf32, #tpu.memory_space<vmem_shared>> -> memref<640x32xf32, #tpu.memory_space<vmem_shared>>
      %dma_wait3A_14 = arith.constant 0 : i32
      %dma_wait3A_15 = tpu.memref_slice %arg2[%arg0, %mul3A_0, %dma_wait3A_14] : memref<2x10240x32xf32, #tpu.memory_space<hbm>> -> memref<1x640x32xf32, #tpu.memory_space<hbm>>
      %dma_wait3A_16 = tpu.memref_squeeze %dma_wait3A_15 : memref<1x640x32xf32, #tpu.memory_space<hbm>> -> memref<640x32xf32, #tpu.memory_space<hbm>>
      tpu.wait_dma2 semaphore(%run_scoped3A : memref<!tpu.dma_semaphore, #tpu.memory_space<semaphore_mem>>) src(%dma_wait3A_16 : memref<640x32xf32, #tpu.memory_space<hbm>>) dst(%dma_wait3A_13 : memref<640x32xf32, #tpu.memory_space<vmem_shared>>)
      tpu.yield
    }) : () -> ()
    "tpu.region"() ({
      %run_scoped3A = tpu.sem_alloc : memref<!tpu.dma_semaphore, #tpu.memory_space<semaphore_mem>>
      %dma_start3A = arith.constant 0 : i32
      %dma_start3A_9 = tpu.memref_slice %arg21[%mul3A_0, %dma_start3A] : memref<10240x32xf32, #tpu.memory_space<vmem_shared>> -> memref<640x32xf32, #tpu.memory_space<vmem_shared>>
      %dma_start3A_10 = arith.constant 0 : i32
      %dma_start3A_11 = tpu.memref_slice %arg2[%arg0, %mul3A_0, %dma_start3A_10] : memref<2x10240x32xf32, #tpu.memory_space<hbm>> -> memref<1x640x32xf32, #tpu.memory_space<hbm>>
      %dma_start3A_12 = tpu.memref_squeeze %dma_start3A_11 : memref<1x640x32xf32, #tpu.memory_space<hbm>> -> memref<640x32xf32, #tpu.memory_space<hbm>>
      tpu.enqueue_dma source(%dma_start3A_12 : memref<640x32xf32, #tpu.memory_space<hbm>>) target(%dma_start3A_9 : memref<640x32xf32, #tpu.memory_space<vmem_shared>>) target_semaphore(%run_scoped3A : memref<!tpu.dma_semaphore, #tpu.memory_space<semaphore_mem>>)
      %dma_wait3A = arith.constant 0 : i32
      %dma_wait3A_13 = tpu.memref_slice %arg21[%mul3A_0, %dma_wait3A] : memref<10240x32xf32, #tpu.memory_space<vmem_shared>> -> memref<640x32xf32, #tpu.memory_space<vmem_shared>>
      %dma_wait3A_14 = arith.constant 0 : i32
      %dma_wait3A_15 = tpu.memref_slice %arg2[%arg0, %mul3A_0, %dma_wait3A_14] : memref<2x10240x32xf32, #tpu.memory_space<hbm>> -> memref<1x640x32xf32, #tpu.memory_space<hbm>>
      %dma_wait3A_16 = tpu.memref_squeeze %dma_wait3A_15 : memref<1x640x32xf32, #tpu.memory_space<hbm>> -> memref<640x32xf32, #tpu.memory_space<hbm>>
      tpu.wait_dma2 semaphore(%run_scoped3A : memref<!tpu.dma_semaphore, #tpu.memory_space<semaphore_mem>>) src(%dma_wait3A_16 : memref<640x32xf32, #tpu.memory_space<hbm>>) dst(%dma_wait3A_13 : memref<640x32xf32, #tpu.memory_space<vmem_shared>>)
      tpu.yield
    }) : () -> ()
    %barrier3A = arith.constant 0 : index
    tpu.barrier barrier_id(%barrier3A)
    %mul3A_1 = arith.constant 160 : i32
    %mul3A_2 = arith.muli %arg1, %mul3A_1 : i32
    %scan3A = arith.constant 0 : i32
    %scan3A_3 = arith.constant 0 : i32
    %scan3A_4 = arith.constant 5 : i32
    %scan3A_5 = arith.addi %scan3A_3, %scan3A_4 : i32
    %scan3A_6 = arith.constant 1 : i32
    scf.for %scan3A_9 = %scan3A_3 to %scan3A_5 step %scan3A_6  : i32 {
      %mul3A_10 = arith.constant 32 : i32
      %mul3A_11 = arith.muli %scan3A_9, %mul3A_10 : i32
      %add3A = arith.addi %mul3A_2, %mul3A_11 : i32
      "tpu.region"() ({
        %run_scoped3A = tpu.sem_alloc : memref<!tpu.dma_semaphore, #tpu.memory_space<semaphore_mem>>
        %dma_start3A_120 = arith.constant 0 : i32
        %dma_start3A_121 = tpu.memref_slice %arg3[%add3A, %dma_start3A_120] : memref<2560x128xi32, #tpu.memory_space<hbm>> -> memref<32x128xi32, #tpu.memory_space<hbm>>
        %dma_start3A_122 = arith.constant 0 : i32
        %dma_start3A_123 = tpu.memref_slice %arg3[%add3A, %dma_start3A_122] : memref<2560x128xi32, #tpu.memory_space<hbm>> -> memref<32x128xi32, #tpu.memory_space<hbm>>
        tpu.enqueue_dma source(%dma_start3A_123 : memref<32x128xi32, #tpu.memory_space<hbm>>) target(%arg6 : memref<32x128xi32, #tpu.memory_space<vmem>>) target_semaphore(%run_scoped3A : memref<!tpu.dma_semaphore, #tpu.memory_space<semaphore_mem>>)
        %dma_wait3A_124 = arith.constant 0 : i32
        %dma_wait3A_125 = tpu.memref_slice %arg3[%add3A, %dma_wait3A_124] : memref<2560x128xi32, #tpu.memory_space<hbm>> -> memref<32x128xi32, #tpu.memory_space<hbm>>
        %dma_wait3A_126 = arith.constant 0 : i32
        %dma_wait3A_127 = tpu.memref_slice %arg3[%add3A, %dma_wait3A_126] : memref<2560x128xi32, #tpu.memory_space<hbm>> -> memref<32x128xi32, #tpu.memory_space<hbm>>
        tpu.wait_dma2 semaphore(%run_scoped3A : memref<!tpu.dma_semaphore, #tpu.memory_space<semaphore_mem>>) src(%dma_wait3A_127 : memref<32x128xi32, #tpu.memory_space<hbm>>) dst(%arg6 : memref<32x128xi32, #tpu.memory_space<vmem>>)
        tpu.yield
      }) : () -> ()
      "tpu.region"() ({
        %run_scoped3A = tpu.sem_alloc : memref<!tpu.dma_semaphore, #tpu.memory_space<semaphore_mem>>
        %dma_start3A_120 = arith.constant 0 : i32
        %dma_start3A_121 = tpu.memref_slice %arg4[%add3A, %dma_start3A_120] : memref<2560x128xi32, #tpu.memory_space<hbm>> -> memref<32x128xi32, #tpu.memory_space<hbm>>
        %dma_start3A_122 = arith.constant 0 : i32
        %dma_start3A_123 = tpu.memref_slice %arg4[%add3A, %dma_start3A_122] : memref<2560x128xi32, #tpu.memory_space<hbm>> -> memref<32x128xi32, #tpu.memory_space<hbm>>
        tpu.enqueue_dma source(%dma_start3A_123 : memref<32x128xi32, #tpu.memory_space<hbm>>) target(%arg7 : memref<32x128xi32, #tpu.memory_space<vmem>>) target_semaphore(%run_scoped3A : memref<!tpu.dma_semaphore, #tpu.memory_space<semaphore_mem>>)
        %dma_wait3A_124 = arith.constant 0 : i32
        %dma_wait3A_125 = tpu.memref_slice %arg4[%add3A, %dma_wait3A_124] : memref<2560x128xi32, #tpu.memory_space<hbm>> -> memref<32x128xi32, #tpu.memory_space<hbm>>
        %dma_wait3A_126 = arith.constant 0 : i32
        %dma_wait3A_127 = tpu.memref_slice %arg4[%add3A, %dma_wait3A_126] : memref<2560x128xi32, #tpu.memory_space<hbm>> -> memref<32x128xi32, #tpu.memory_space<hbm>>
        tpu.wait_dma2 semaphore(%run_scoped3A : memref<!tpu.dma_semaphore, #tpu.memory_space<semaphore_mem>>) src(%dma_wait3A_127 : memref<32x128xi32, #tpu.memory_space<hbm>>) dst(%arg7 : memref<32x128xi32, #tpu.memory_space<vmem>>)
        tpu.yield
      }) : () -> ()
      %dma_start3A = arith.constant 0 : i32
      %dma_start3A_12 = arith.constant 0 : i32
      %dma_start3A_13 = tpu.memref_slice %arg6[%dma_start3A, %dma_start3A_12] : memref<32x128xi32, #tpu.memory_space<vmem>> -> memref<1x128xi32, #tpu.memory_space<vmem>>
      %dma_start3A_14 = tpu.memref_squeeze %dma_start3A_13 : memref<1x128xi32, #tpu.memory_space<vmem>> -> memref<128xi32, #tpu.memory_space<vmem>>
      %dma_start3A_15 = arith.constant 0 : i32
      %dma_start3A_16 = arith.constant 0 : i32
      %dma_start3A_17 = tpu.memref_slice %arg20[%dma_start3A_15, %dma_start3A_16] : memref<10240x32xf32, #tpu.memory_space<vmem_shared>> -> memref<10240x32xf32, #tpu.memory_space<vmem_shared>>
      tpu.enqueue_indirect_dma source(%dma_start3A_17 : memref<10240x32xf32, #tpu.memory_space<vmem_shared>>) target(%arg8 : memref<128x32xf32, #tpu.memory_space<vmem>>) offsets(%dma_start3A_14 : memref<128xi32, #tpu.memory_space<vmem>>) semaphore(%arg12 : memref<!tpu.dma_semaphore, #tpu.memory_space<semaphore_mem>>)
      %dma_start3A_18 = arith.constant 1 : i32
      %dma_start3A_19 = arith.constant 0 : i32
      %dma_start3A_20 = tpu.memref_slice %arg6[%dma_start3A_18, %dma_start3A_19] : memref<32x128xi32, #tpu.memory_space<vmem>> -> memref<1x128xi32, #tpu.memory_space<vmem>>
      %dma_start3A_21 = tpu.memref_squeeze %dma_start3A_20 : memref<1x128xi32, #tpu.memory_space<vmem>> -> memref<128xi32, #tpu.memory_space<vmem>>
      %dma_start3A_22 = arith.constant 0 : i32
      %dma_start3A_23 = arith.constant 0 : i32
      %dma_start3A_24 = tpu.memref_slice %arg20[%dma_start3A_22, %dma_start3A_23] : memref<10240x32xf32, #tpu.memory_space<vmem_shared>> -> memref<10240x32xf32, #tpu.memory_space<vmem_shared>>
      tpu.enqueue_indirect_dma source(%dma_start3A_24 : memref<10240x32xf32, #tpu.memory_space<vmem_shared>>) target(%arg9 : memref<128x32xf32, #tpu.memory_space<vmem>>) offsets(%dma_start3A_21 : memref<128xi32, #tpu.memory_space<vmem>>) semaphore(%arg13 : memref<!tpu.dma_semaphore, #tpu.memory_space<semaphore_mem>>)
      %dma_start3A_25 = arith.constant 2 : i32
      %dma_start3A_26 = arith.constant 0 : i32
      %dma_start3A_27 = tpu.memref_slice %arg6[%dma_start3A_25, %dma_start3A_26] : memref<32x128xi32, #tpu.memory_space<vmem>> -> memref<1x128xi32, #tpu.memory_space<vmem>>
      %dma_start3A_28 = tpu.memref_squeeze %dma_start3A_27 : memref<1x128xi32, #tpu.memory_space<vmem>> -> memref<128xi32, #tpu.memory_space<vmem>>
      %dma_start3A_29 = arith.constant 0 : i32
      %dma_start3A_30 = arith.constant 0 : i32
      %dma_start3A_31 = tpu.memref_slice %arg20[%dma_start3A_29, %dma_start3A_30] : memref<10240x32xf32, #tpu.memory_space<vmem_shared>> -> memref<10240x32xf32, #tpu.memory_space<vmem_shared>>
      tpu.enqueue_indirect_dma source(%dma_start3A_31 : memref<10240x32xf32, #tpu.memory_space<vmem_shared>>) target(%arg10 : memref<128x32xf32, #tpu.memory_space<vmem>>) offsets(%dma_start3A_28 : memref<128xi32, #tpu.memory_space<vmem>>) semaphore(%arg14 : memref<!tpu.dma_semaphore, #tpu.memory_space<semaphore_mem>>)
      %dma_start3A_32 = arith.constant 3 : i32
      %dma_start3A_33 = arith.constant 0 : i32
      %dma_start3A_34 = tpu.memref_slice %arg6[%dma_start3A_32, %dma_start3A_33] : memref<32x128xi32, #tpu.memory_space<vmem>> -> memref<1x128xi32, #tpu.memory_space<vmem>>
      %dma_start3A_35 = tpu.memref_squeeze %dma_start3A_34 : memref<1x128xi32, #tpu.memory_space<vmem>> -> memref<128xi32, #tpu.memory_space<vmem>>
      %dma_start3A_36 = arith.constant 0 : i32
      %dma_start3A_37 = arith.constant 0 : i32
      %dma_start3A_38 = tpu.memref_slice %arg20[%dma_start3A_36, %dma_start3A_37] : memref<10240x32xf32, #tpu.memory_space<vmem_shared>> -> memref<10240x32xf32, #tpu.memory_space<vmem_shared>>
      tpu.enqueue_indirect_dma source(%dma_start3A_38 : memref<10240x32xf32, #tpu.memory_space<vmem_shared>>) target(%arg11 : memref<128x32xf32, #tpu.memory_space<vmem>>) offsets(%dma_start3A_35 : memref<128xi32, #tpu.memory_space<vmem>>) semaphore(%arg15 : memref<!tpu.dma_semaphore, #tpu.memory_space<semaphore_mem>>)
      %scan3A_39 = arith.constant 0 : i32
      %scan3A_40 = arith.constant 0 : i32
      %scan3A_41 = arith.constant 7 : i32
      %scan3A_42 = arith.addi %scan3A_40, %scan3A_41 : i32
      %scan3A_43 = arith.constant 1 : i32
      scf.for %scan3A_120 = %scan3A_40 to %scan3A_42 step %scan3A_43  : i32 {
        %mul3A_121 = arith.constant 4 : i32
        %mul3A_122 = arith.muli %mul3A_121, %scan3A_120 : i32
        %add3A_123 = arith.constant 4 : i32
        %add3A_124 = arith.addi %mul3A_122, %add3A_123 : i32
        %dma_wait3A_125 = arith.constant 0 : i32
        %dma_wait3A_126 = arith.constant 0 : i32
        %dma_wait3A_127 = tpu.memref_slice %arg20[%dma_wait3A_125, %dma_wait3A_126] : memref<10240x32xf32, #tpu.memory_space<vmem_shared>> -> memref<128x32xf32, #tpu.memory_space<vmem_shared>>
        %dma_wait3A_128 = arith.constant 0 : i32
        %dma_wait3A_129 = arith.constant 0 : i32
        %dma_wait3A_130 = tpu.memref_slice %arg20[%dma_wait3A_128, %dma_wait3A_129] : memref<10240x32xf32, #tpu.memory_space<vmem_shared>> -> memref<128x32xf32, #tpu.memory_space<vmem_shared>>
        tpu.wait_dma2 semaphore(%arg12 : memref<!tpu.dma_semaphore, #tpu.memory_space<semaphore_mem>>) src(%dma_wait3A_130 : memref<128x32xf32, #tpu.memory_space<vmem_shared>>) dst(%arg8 : memref<128x32xf32, #tpu.memory_space<vmem>>)
        %sub3A = arith.constant 4 : i32
        %sub3A_131 = arith.subi %add3A_124, %sub3A : i32
        %add3A_132 = arith.constant 0 : i32
        %add3A_133 = arith.addi %sub3A_131, %add3A_132 : i32
        %dma_start3A_134 = arith.constant 0 : i32
        %dma_start3A_135 = tpu.memref_slice %arg7[%add3A_133, %dma_start3A_134] : memref<32x128xi32, #tpu.memory_space<vmem>> -> memref<1x128xi32, #tpu.memory_space<vmem>>
        %dma_start3A_136 = tpu.memref_squeeze %dma_start3A_135 : memref<1x128xi32, #tpu.memory_space<vmem>> -> memref<128xi32, #tpu.memory_space<vmem>>
        %dma_start3A_137 = arith.constant 0 : i32
        %dma_start3A_138 = arith.constant 0 : i32
        %dma_start3A_139 = tpu.memref_slice %arg21[%dma_start3A_137, %dma_start3A_138] : memref<10240x32xf32, #tpu.memory_space<vmem_shared>> -> memref<10240x32xf32, #tpu.memory_space<vmem_shared>>
        tpu.enqueue_indirect_dma source(%arg8 : memref<128x32xf32, #tpu.memory_space<vmem>>) target(%dma_start3A_139 : memref<10240x32xf32, #tpu.memory_space<vmem_shared>>) offsets(%dma_start3A_136 : memref<128xi32, #tpu.memory_space<vmem>>) semaphore(%arg16 : memref<!tpu.dma_semaphore, #tpu.memory_space<semaphore_mem>>) {add = true}
        %dma_wait3A_140 = arith.constant 0 : i32
        %dma_wait3A_141 = arith.constant 0 : i32
        %dma_wait3A_142 = tpu.memref_slice %arg20[%dma_wait3A_140, %dma_wait3A_141] : memref<10240x32xf32, #tpu.memory_space<vmem_shared>> -> memref<128x32xf32, #tpu.memory_space<vmem_shared>>
        %dma_wait3A_143 = arith.constant 0 : i32
        %dma_wait3A_144 = arith.constant 0 : i32
        %dma_wait3A_145 = tpu.memref_slice %arg20[%dma_wait3A_143, %dma_wait3A_144] : memref<10240x32xf32, #tpu.memory_space<vmem_shared>> -> memref<128x32xf32, #tpu.memory_space<vmem_shared>>
        tpu.wait_dma2 semaphore(%arg13 : memref<!tpu.dma_semaphore, #tpu.memory_space<semaphore_mem>>) src(%dma_wait3A_145 : memref<128x32xf32, #tpu.memory_space<vmem_shared>>) dst(%arg9 : memref<128x32xf32, #tpu.memory_space<vmem>>)
        %sub3A_146 = arith.constant 4 : i32
        %sub3A_147 = arith.subi %add3A_124, %sub3A_146 : i32
        %add3A_148 = arith.constant 1 : i32
        %add3A_149 = arith.addi %sub3A_147, %add3A_148 : i32
        %dma_start3A_150 = arith.constant 0 : i32
        %dma_start3A_151 = tpu.memref_slice %arg7[%add3A_149, %dma_start3A_150] : memref<32x128xi32, #tpu.memory_space<vmem>> -> memref<1x128xi32, #tpu.memory_space<vmem>>
        %dma_start3A_152 = tpu.memref_squeeze %dma_start3A_151 : memref<1x128xi32, #tpu.memory_space<vmem>> -> memref<128xi32, #tpu.memory_space<vmem>>
        %dma_start3A_153 = arith.constant 0 : i32
        %dma_start3A_154 = arith.constant 0 : i32
        %dma_start3A_155 = tpu.memref_slice %arg21[%dma_start3A_153, %dma_start3A_154] : memref<10240x32xf32, #tpu.memory_space<vmem_shared>> -> memref<10240x32xf32, #tpu.memory_space<vmem_shared>>
        tpu.enqueue_indirect_dma source(%arg9 : memref<128x32xf32, #tpu.memory_space<vmem>>) target(%dma_start3A_155 : memref<10240x32xf32, #tpu.memory_space<vmem_shared>>) offsets(%dma_start3A_152 : memref<128xi32, #tpu.memory_space<vmem>>) semaphore(%arg17 : memref<!tpu.dma_semaphore, #tpu.memory_space<semaphore_mem>>) {add = true}
        %dma_wait3A_156 = arith.constant 0 : i32
        %dma_wait3A_157 = arith.constant 0 : i32
        %dma_wait3A_158 = tpu.memref_slice %arg20[%dma_wait3A_156, %dma_wait3A_157] : memref<10240x32xf32, #tpu.memory_space<vmem_shared>> -> memref<128x32xf32, #tpu.memory_space<vmem_shared>>
        %dma_wait3A_159 = arith.constant 0 : i32
        %dma_wait3A_160 = arith.constant 0 : i32
        %dma_wait3A_161 = tpu.memref_slice %arg20[%dma_wait3A_159, %dma_wait3A_160] : memref<10240x32xf32, #tpu.memory_space<vmem_shared>> -> memref<128x32xf32, #tpu.memory_space<vmem_shared>>
        tpu.wait_dma2 semaphore(%arg14 : memref<!tpu.dma_semaphore, #tpu.memory_space<semaphore_mem>>) src(%dma_wait3A_161 : memref<128x32xf32, #tpu.memory_space<vmem_shared>>) dst(%arg10 : memref<128x32xf32, #tpu.memory_space<vmem>>)
        %sub3A_162 = arith.constant 4 : i32
        %sub3A_163 = arith.subi %add3A_124, %sub3A_162 : i32
        %add3A_164 = arith.constant 2 : i32
        %add3A_165 = arith.addi %sub3A_163, %add3A_164 : i32
        %dma_start3A_166 = arith.constant 0 : i32
        %dma_start3A_167 = tpu.memref_slice %arg7[%add3A_165, %dma_start3A_166] : memref<32x128xi32, #tpu.memory_space<vmem>> -> memref<1x128xi32, #tpu.memory_space<vmem>>
        %dma_start3A_168 = tpu.memref_squeeze %dma_start3A_167 : memref<1x128xi32, #tpu.memory_space<vmem>> -> memref<128xi32, #tpu.memory_space<vmem>>
        %dma_start3A_169 = arith.constant 0 : i32
        %dma_start3A_170 = arith.constant 0 : i32
        %dma_start3A_171 = tpu.memref_slice %arg21[%dma_start3A_169, %dma_start3A_170] : memref<10240x32xf32, #tpu.memory_space<vmem_shared>> -> memref<10240x32xf32, #tpu.memory_space<vmem_shared>>
        tpu.enqueue_indirect_dma source(%arg10 : memref<128x32xf32, #tpu.memory_space<vmem>>) target(%dma_start3A_171 : memref<10240x32xf32, #tpu.memory_space<vmem_shared>>) offsets(%dma_start3A_168 : memref<128xi32, #tpu.memory_space<vmem>>) semaphore(%arg18 : memref<!tpu.dma_semaphore, #tpu.memory_space<semaphore_mem>>) {add = true}
        %dma_wait3A_172 = arith.constant 0 : i32
        %dma_wait3A_173 = arith.constant 0 : i32
        %dma_wait3A_174 = tpu.memref_slice %arg20[%dma_wait3A_172, %dma_wait3A_173] : memref<10240x32xf32, #tpu.memory_space<vmem_shared>> -> memref<128x32xf32, #tpu.memory_space<vmem_shared>>
        %dma_wait3A_175 = arith.constant 0 : i32
        %dma_wait3A_176 = arith.constant 0 : i32
        %dma_wait3A_177 = tpu.memref_slice %arg20[%dma_wait3A_175, %dma_wait3A_176] : memref<10240x32xf32, #tpu.memory_space<vmem_shared>> -> memref<128x32xf32, #tpu.memory_space<vmem_shared>>
        tpu.wait_dma2 semaphore(%arg15 : memref<!tpu.dma_semaphore, #tpu.memory_space<semaphore_mem>>) src(%dma_wait3A_177 : memref<128x32xf32, #tpu.memory_space<vmem_shared>>) dst(%arg11 : memref<128x32xf32, #tpu.memory_space<vmem>>)
        %sub3A_178 = arith.constant 4 : i32
        %sub3A_179 = arith.subi %add3A_124, %sub3A_178 : i32
        %add3A_180 = arith.constant 3 : i32
        %add3A_181 = arith.addi %sub3A_179, %add3A_180 : i32
        %dma_start3A_182 = arith.constant 0 : i32
        %dma_start3A_183 = tpu.memref_slice %arg7[%add3A_181, %dma_start3A_182] : memref<32x128xi32, #tpu.memory_space<vmem>> -> memref<1x128xi32, #tpu.memory_space<vmem>>
        %dma_start3A_184 = tpu.memref_squeeze %dma_start3A_183 : memref<1x128xi32, #tpu.memory_space<vmem>> -> memref<128xi32, #tpu.memory_space<vmem>>
        %dma_start3A_185 = arith.constant 0 : i32
        %dma_start3A_186 = arith.constant 0 : i32
        %dma_start3A_187 = tpu.memref_slice %arg21[%dma_start3A_185, %dma_start3A_186] : memref<10240x32xf32, #tpu.memory_space<vmem_shared>> -> memref<10240x32xf32, #tpu.memory_space<vmem_shared>>
        tpu.enqueue_indirect_dma source(%arg11 : memref<128x32xf32, #tpu.memory_space<vmem>>) target(%dma_start3A_187 : memref<10240x32xf32, #tpu.memory_space<vmem_shared>>) offsets(%dma_start3A_184 : memref<128xi32, #tpu.memory_space<vmem>>) semaphore(%arg19 : memref<!tpu.dma_semaphore, #tpu.memory_space<semaphore_mem>>) {add = true}
        %dma_wait3A_188 = arith.constant 0 : i32
        %dma_wait3A_189 = arith.constant 0 : i32
        %dma_wait3A_190 = tpu.memref_slice %arg21[%dma_wait3A_188, %dma_wait3A_189] : memref<10240x32xf32, #tpu.memory_space<vmem_shared>> -> memref<128x32xf32, #tpu.memory_space<vmem_shared>>
        %dma_wait3A_191 = arith.constant 0 : i32
        %dma_wait3A_192 = arith.constant 0 : i32
        %dma_wait3A_193 = tpu.memref_slice %arg21[%dma_wait3A_191, %dma_wait3A_192] : memref<10240x32xf32, #tpu.memory_space<vmem_shared>> -> memref<128x32xf32, #tpu.memory_space<vmem_shared>>
        tpu.wait_dma2 semaphore(%arg16 : memref<!tpu.dma_semaphore, #tpu.memory_space<semaphore_mem>>) src(%arg8 : memref<128x32xf32, #tpu.memory_space<vmem>>) dst(%dma_wait3A_193 : memref<128x32xf32, #tpu.memory_space<vmem_shared>>)
        %add3A_194 = arith.constant 0 : i32
        %add3A_195 = arith.addi %add3A_124, %add3A_194 : i32
        %dma_start3A_196 = arith.constant 0 : i32
        %dma_start3A_197 = tpu.memref_slice %arg6[%add3A_195, %dma_start3A_196] : memref<32x128xi32, #tpu.memory_space<vmem>> -> memref<1x128xi32, #tpu.memory_space<vmem>>
        %dma_start3A_198 = tpu.memref_squeeze %dma_start3A_197 : memref<1x128xi32, #tpu.memory_space<vmem>> -> memref<128xi32, #tpu.memory_space<vmem>>
        %dma_start3A_199 = arith.constant 0 : i32
        %dma_start3A_200 = arith.constant 0 : i32
        %dma_start3A_201 = tpu.memref_slice %arg20[%dma_start3A_199, %dma_start3A_200] : memref<10240x32xf32, #tpu.memory_space<vmem_shared>> -> memref<10240x32xf32, #tpu.memory_space<vmem_shared>>
        tpu.enqueue_indirect_dma source(%dma_start3A_201 : memref<10240x32xf32, #tpu.memory_space<vmem_shared>>) target(%arg8 : memref<128x32xf32, #tpu.memory_space<vmem>>) offsets(%dma_start3A_198 : memref<128xi32, #tpu.memory_space<vmem>>) semaphore(%arg12 : memref<!tpu.dma_semaphore, #tpu.memory_space<semaphore_mem>>)
        %dma_wait3A_202 = arith.constant 0 : i32
        %dma_wait3A_203 = arith.constant 0 : i32
        %dma_wait3A_204 = tpu.memref_slice %arg21[%dma_wait3A_202, %dma_wait3A_203] : memref<10240x32xf32, #tpu.memory_space<vmem_shared>> -> memref<128x32xf32, #tpu.memory_space<vmem_shared>>
        %dma_wait3A_205 = arith.constant 0 : i32
        %dma_wait3A_206 = arith.constant 0 : i32
        %dma_wait3A_207 = tpu.memref_slice %arg21[%dma_wait3A_205, %dma_wait3A_206] : memref<10240x32xf32, #tpu.memory_space<vmem_shared>> -> memref<128x32xf32, #tpu.memory_space<vmem_shared>>
        tpu.wait_dma2 semaphore(%arg17 : memref<!tpu.dma_semaphore, #tpu.memory_space<semaphore_mem>>) src(%arg9 : memref<128x32xf32, #tpu.memory_space<vmem>>) dst(%dma_wait3A_207 : memref<128x32xf32, #tpu.memory_space<vmem_shared>>)
        %add3A_208 = arith.constant 1 : i32
        %add3A_209 = arith.addi %add3A_124, %add3A_208 : i32
        %dma_start3A_210 = arith.constant 0 : i32
        %dma_start3A_211 = tpu.memref_slice %arg6[%add3A_209, %dma_start3A_210] : memref<32x128xi32, #tpu.memory_space<vmem>> -> memref<1x128xi32, #tpu.memory_space<vmem>>
        %dma_start3A_212 = tpu.memref_squeeze %dma_start3A_211 : memref<1x128xi32, #tpu.memory_space<vmem>> -> memref<128xi32, #tpu.memory_space<vmem>>
        %dma_start3A_213 = arith.constant 0 : i32
        %dma_start3A_214 = arith.constant 0 : i32
        %dma_start3A_215 = tpu.memref_slice %arg20[%dma_start3A_213, %dma_start3A_214] : memref<10240x32xf32, #tpu.memory_space<vmem_shared>> -> memref<10240x32xf32, #tpu.memory_space<vmem_shared>>
        tpu.enqueue_indirect_dma source(%dma_start3A_215 : memref<10240x32xf32, #tpu.memory_space<vmem_shared>>) target(%arg9 : memref<128x32xf32, #tpu.memory_space<vmem>>) offsets(%dma_start3A_212 : memref<128xi32, #tpu.memory_space<vmem>>) semaphore(%arg13 : memref<!tpu.dma_semaphore, #tpu.memory_space<semaphore_mem>>)
        %dma_wait3A_216 = arith.constant 0 : i32
        %dma_wait3A_217 = arith.constant 0 : i32
        %dma_wait3A_218 = tpu.memref_slice %arg21[%dma_wait3A_216, %dma_wait3A_217] : memref<10240x32xf32, #tpu.memory_space<vmem_shared>> -> memref<128x32xf32, #tpu.memory_space<vmem_shared>>
        %dma_wait3A_219 = arith.constant 0 : i32
        %dma_wait3A_220 = arith.constant 0 : i32
        %dma_wait3A_221 = tpu.memref_slice %arg21[%dma_wait3A_219, %dma_wait3A_220] : memref<10240x32xf32, #tpu.memory_space<vmem_shared>> -> memref<128x32xf32, #tpu.memory_space<vmem_shared>>
        tpu.wait_dma2 semaphore(%arg18 : memref<!tpu.dma_semaphore, #tpu.memory_space<semaphore_mem>>) src(%arg10 : memref<128x32xf32, #tpu.memory_space<vmem>>) dst(%dma_wait3A_221 : memref<128x32xf32, #tpu.memory_space<vmem_shared>>)
        %add3A_222 = arith.constant 2 : i32
        %add3A_223 = arith.addi %add3A_124, %add3A_222 : i32
        %dma_start3A_224 = arith.constant 0 : i32
        %dma_start3A_225 = tpu.memref_slice %arg6[%add3A_223, %dma_start3A_224] : memref<32x128xi32, #tpu.memory_space<vmem>> -> memref<1x128xi32, #tpu.memory_space<vmem>>
        %dma_start3A_226 = tpu.memref_squeeze %dma_start3A_225 : memref<1x128xi32, #tpu.memory_space<vmem>> -> memref<128xi32, #tpu.memory_space<vmem>>
        %dma_start3A_227 = arith.constant 0 : i32
        %dma_start3A_228 = arith.constant 0 : i32
        %dma_start3A_229 = tpu.memref_slice %arg20[%dma_start3A_227, %dma_start3A_228] : memref<10240x32xf32, #tpu.memory_space<vmem_shared>> -> memref<10240x32xf32, #tpu.memory_space<vmem_shared>>
        tpu.enqueue_indirect_dma source(%dma_start3A_229 : memref<10240x32xf32, #tpu.memory_space<vmem_shared>>) target(%arg10 : memref<128x32xf32, #tpu.memory_space<vmem>>) offsets(%dma_start3A_226 : memref<128xi32, #tpu.memory_space<vmem>>) semaphore(%arg14 : memref<!tpu.dma_semaphore, #tpu.memory_space<semaphore_mem>>)
        %dma_wait3A_230 = arith.constant 0 : i32
        %dma_wait3A_231 = arith.constant 0 : i32
        %dma_wait3A_232 = tpu.memref_slice %arg21[%dma_wait3A_230, %dma_wait3A_231] : memref<10240x32xf32, #tpu.memory_space<vmem_shared>> -> memref<128x32xf32, #tpu.memory_space<vmem_shared>>
        %dma_wait3A_233 = arith.constant 0 : i32
        %dma_wait3A_234 = arith.constant 0 : i32
        %dma_wait3A_235 = tpu.memref_slice %arg21[%dma_wait3A_233, %dma_wait3A_234] : memref<10240x32xf32, #tpu.memory_space<vmem_shared>> -> memref<128x32xf32, #tpu.memory_space<vmem_shared>>
        tpu.wait_dma2 semaphore(%arg19 : memref<!tpu.dma_semaphore, #tpu.memory_space<semaphore_mem>>) src(%arg11 : memref<128x32xf32, #tpu.memory_space<vmem>>) dst(%dma_wait3A_235 : memref<128x32xf32, #tpu.memory_space<vmem_shared>>)
        %add3A_236 = arith.constant 3 : i32
        %add3A_237 = arith.addi %add3A_124, %add3A_236 : i32
        %dma_start3A_238 = arith.constant 0 : i32
        %dma_start3A_239 = tpu.memref_slice %arg6[%add3A_237, %dma_start3A_238] : memref<32x128xi32, #tpu.memory_space<vmem>> -> memref<1x128xi32, #tpu.memory_space<vmem>>
        %dma_start3A_240 = tpu.memref_squeeze %dma_start3A_239 : memref<1x128xi32, #tpu.memory_space<vmem>> -> memref<128xi32, #tpu.memory_space<vmem>>
        %dma_start3A_241 = arith.constant 0 : i32
        %dma_start3A_242 = arith.constant 0 : i32
        %dma_start3A_243 = tpu.memref_slice %arg20[%dma_start3A_241, %dma_start3A_242] : memref<10240x32xf32, #tpu.memory_space<vmem_shared>> -> memref<10240x32xf32, #tpu.memory_space<vmem_shared>>
        tpu.enqueue_indirect_dma source(%dma_start3A_243 : memref<10240x32xf32, #tpu.memory_space<vmem_shared>>) target(%arg11 : memref<128x32xf32, #tpu.memory_space<vmem>>) offsets(%dma_start3A_240 : memref<128xi32, #tpu.memory_space<vmem>>) semaphore(%arg15 : memref<!tpu.dma_semaphore, #tpu.memory_space<semaphore_mem>>)
      }
      %scan3A_44 = arith.constant 7 : i32
      %dma_wait3A = arith.constant 0 : i32
      %dma_wait3A_45 = arith.constant 0 : i32
      %dma_wait3A_46 = tpu.memref_slice %arg20[%dma_wait3A, %dma_wait3A_45] : memref<10240x32xf32, #tpu.memory_space<vmem_shared>> -> memref<128x32xf32, #tpu.memory_space<vmem_shared>>
      %dma_wait3A_47 = arith.constant 0 : i32
      %dma_wait3A_48 = arith.constant 0 : i32
      %dma_wait3A_49 = tpu.memref_slice %arg20[%dma_wait3A_47, %dma_wait3A_48] : memref<10240x32xf32, #tpu.memory_space<vmem_shared>> -> memref<128x32xf32, #tpu.memory_space<vmem_shared>>
      tpu.wait_dma2 semaphore(%arg12 : memref<!tpu.dma_semaphore, #tpu.memory_space<semaphore_mem>>) src(%dma_wait3A_49 : memref<128x32xf32, #tpu.memory_space<vmem_shared>>) dst(%arg8 : memref<128x32xf32, #tpu.memory_space<vmem>>)
      %dma_start3A_50 = arith.constant 28 : i32
      %dma_start3A_51 = arith.constant 0 : i32
      %dma_start3A_52 = tpu.memref_slice %arg7[%dma_start3A_50, %dma_start3A_51] : memref<32x128xi32, #tpu.memory_space<vmem>> -> memref<1x128xi32, #tpu.memory_space<vmem>>
      %dma_start3A_53 = tpu.memref_squeeze %dma_start3A_52 : memref<1x128xi32, #tpu.memory_space<vmem>> -> memref<128xi32, #tpu.memory_space<vmem>>
      %dma_start3A_54 = arith.constant 0 : i32
      %dma_start3A_55 = arith.constant 0 : i32
      %dma_start3A_56 = tpu.memref_slice %arg21[%dma_start3A_54, %dma_start3A_55] : memref<10240x32xf32, #tpu.memory_space<vmem_shared>> -> memref<10240x32xf32, #tpu.memory_space<vmem_shared>>
      tpu.enqueue_indirect_dma source(%arg8 : memref<128x32xf32, #tpu.memory_space<vmem>>) target(%dma_start3A_56 : memref<10240x32xf32, #tpu.memory_space<vmem_shared>>) offsets(%dma_start3A_53 : memref<128xi32, #tpu.memory_space<vmem>>) semaphore(%arg16 : memref<!tpu.dma_semaphore, #tpu.memory_space<semaphore_mem>>) {add = true}
      %dma_wait3A_57 = arith.constant 0 : i32
      %dma_wait3A_58 = arith.constant 0 : i32
      %dma_wait3A_59 = tpu.memref_slice %arg20[%dma_wait3A_57, %dma_wait3A_58] : memref<10240x32xf32, #tpu.memory_space<vmem_shared>> -> memref<128x32xf32, #tpu.memory_space<vmem_shared>>
      %dma_wait3A_60 = arith.constant 0 : i32
      %dma_wait3A_61 = arith.constant 0 : i32
      %dma_wait3A_62 = tpu.memref_slice %arg20[%dma_wait3A_60, %dma_wait3A_61] : memref<10240x32xf32, #tpu.memory_space<vmem_shared>> -> memref<128x32xf32, #tpu.memory_space<vmem_shared>>
      tpu.wait_dma2 semaphore(%arg13 : memref<!tpu.dma_semaphore, #tpu.memory_space<semaphore_mem>>) src(%dma_wait3A_62 : memref<128x32xf32, #tpu.memory_space<vmem_shared>>) dst(%arg9 : memref<128x32xf32, #tpu.memory_space<vmem>>)
      %dma_start3A_63 = arith.constant 29 : i32
      %dma_start3A_64 = arith.constant 0 : i32
      %dma_start3A_65 = tpu.memref_slice %arg7[%dma_start3A_63, %dma_start3A_64] : memref<32x128xi32, #tpu.memory_space<vmem>> -> memref<1x128xi32, #tpu.memory_space<vmem>>
      %dma_start3A_66 = tpu.memref_squeeze %dma_start3A_65 : memref<1x128xi32, #tpu.memory_space<vmem>> -> memref<128xi32, #tpu.memory_space<vmem>>
      %dma_start3A_67 = arith.constant 0 : i32
      %dma_start3A_68 = arith.constant 0 : i32
      %dma_start3A_69 = tpu.memref_slice %arg21[%dma_start3A_67, %dma_start3A_68] : memref<10240x32xf32, #tpu.memory_space<vmem_shared>> -> memref<10240x32xf32, #tpu.memory_space<vmem_shared>>
      tpu.enqueue_indirect_dma source(%arg9 : memref<128x32xf32, #tpu.memory_space<vmem>>) target(%dma_start3A_69 : memref<10240x32xf32, #tpu.memory_space<vmem_shared>>) offsets(%dma_start3A_66 : memref<128xi32, #tpu.memory_space<vmem>>) semaphore(%arg17 : memref<!tpu.dma_semaphore, #tpu.memory_space<semaphore_mem>>) {add = true}
      %dma_wait3A_70 = arith.constant 0 : i32
      %dma_wait3A_71 = arith.constant 0 : i32
      %dma_wait3A_72 = tpu.memref_slice %arg20[%dma_wait3A_70, %dma_wait3A_71] : memref<10240x32xf32, #tpu.memory_space<vmem_shared>> -> memref<128x32xf32, #tpu.memory_space<vmem_shared>>
      %dma_wait3A_73 = arith.constant 0 : i32
      %dma_wait3A_74 = arith.constant 0 : i32
      %dma_wait3A_75 = tpu.memref_slice %arg20[%dma_wait3A_73, %dma_wait3A_74] : memref<10240x32xf32, #tpu.memory_space<vmem_shared>> -> memref<128x32xf32, #tpu.memory_space<vmem_shared>>
      tpu.wait_dma2 semaphore(%arg14 : memref<!tpu.dma_semaphore, #tpu.memory_space<semaphore_mem>>) src(%dma_wait3A_75 : memref<128x32xf32, #tpu.memory_space<vmem_shared>>) dst(%arg10 : memref<128x32xf32, #tpu.memory_space<vmem>>)
      %dma_start3A_76 = arith.constant 30 : i32
      %dma_start3A_77 = arith.constant 0 : i32
      %dma_start3A_78 = tpu.memref_slice %arg7[%dma_start3A_76, %dma_start3A_77] : memref<32x128xi32, #tpu.memory_space<vmem>> -> memref<1x128xi32, #tpu.memory_space<vmem>>
      %dma_start3A_79 = tpu.memref_squeeze %dma_start3A_78 : memref<1x128xi32, #tpu.memory_space<vmem>> -> memref<128xi32, #tpu.memory_space<vmem>>
      %dma_start3A_80 = arith.constant 0 : i32
      %dma_start3A_81 = arith.constant 0 : i32
      %dma_start3A_82 = tpu.memref_slice %arg21[%dma_start3A_80, %dma_start3A_81] : memref<10240x32xf32, #tpu.memory_space<vmem_shared>> -> memref<10240x32xf32, #tpu.memory_space<vmem_shared>>
      tpu.enqueue_indirect_dma source(%arg10 : memref<128x32xf32, #tpu.memory_space<vmem>>) target(%dma_start3A_82 : memref<10240x32xf32, #tpu.memory_space<vmem_shared>>) offsets(%dma_start3A_79 : memref<128xi32, #tpu.memory_space<vmem>>) semaphore(%arg18 : memref<!tpu.dma_semaphore, #tpu.memory_space<semaphore_mem>>) {add = true}
      %dma_wait3A_83 = arith.constant 0 : i32
      %dma_wait3A_84 = arith.constant 0 : i32
      %dma_wait3A_85 = tpu.memref_slice %arg20[%dma_wait3A_83, %dma_wait3A_84] : memref<10240x32xf32, #tpu.memory_space<vmem_shared>> -> memref<128x32xf32, #tpu.memory_space<vmem_shared>>
      %dma_wait3A_86 = arith.constant 0 : i32
      %dma_wait3A_87 = arith.constant 0 : i32
      %dma_wait3A_88 = tpu.memref_slice %arg20[%dma_wait3A_86, %dma_wait3A_87] : memref<10240x32xf32, #tpu.memory_space<vmem_shared>> -> memref<128x32xf32, #tpu.memory_space<vmem_shared>>
      tpu.wait_dma2 semaphore(%arg15 : memref<!tpu.dma_semaphore, #tpu.memory_space<semaphore_mem>>) src(%dma_wait3A_88 : memref<128x32xf32, #tpu.memory_space<vmem_shared>>) dst(%arg11 : memref<128x32xf32, #tpu.memory_space<vmem>>)
      %dma_start3A_89 = arith.constant 31 : i32
      %dma_start3A_90 = arith.constant 0 : i32
      %dma_start3A_91 = tpu.memref_slice %arg7[%dma_start3A_89, %dma_start3A_90] : memref<32x128xi32, #tpu.memory_space<vmem>> -> memref<1x128xi32, #tpu.memory_space<vmem>>
      %dma_start3A_92 = tpu.memref_squeeze %dma_start3A_91 : memref<1x128xi32, #tpu.memory_space<vmem>> -> memref<128xi32, #tpu.memory_space<vmem>>
      %dma_start3A_93 = arith.constant 0 : i32
      %dma_start3A_94 = arith.constant 0 : i32
      %dma_start3A_95 = tpu.memref_slice %arg21[%dma_start3A_93, %dma_start3A_94] : memref<10240x32xf32, #tpu.memory_space<vmem_shared>> -> memref<10240x32xf32, #tpu.memory_space<vmem_shared>>
      tpu.enqueue_indirect_dma source(%arg11 : memref<128x32xf32, #tpu.memory_space<vmem>>) target(%dma_start3A_95 : memref<10240x32xf32, #tpu.memory_space<vmem_shared>>) offsets(%dma_start3A_92 : memref<128xi32, #tpu.memory_space<vmem>>) semaphore(%arg19 : memref<!tpu.dma_semaphore, #tpu.memory_space<semaphore_mem>>) {add = true}
      %dma_wait3A_96 = arith.constant 0 : i32
      %dma_wait3A_97 = arith.constant 0 : i32
      %dma_wait3A_98 = tpu.memref_slice %arg21[%dma_wait3A_96, %dma_wait3A_97] : memref<10240x32xf32, #tpu.memory_space<vmem_shared>> -> memref<128x32xf32, #tpu.memory_space<vmem_shared>>
      %dma_wait3A_99 = arith.constant 0 : i32
      %dma_wait3A_100 = arith.constant 0 : i32
      %dma_wait3A_101 = tpu.memref_slice %arg21[%dma_wait3A_99, %dma_wait3A_100] : memref<10240x32xf32, #tpu.memory_space<vmem_shared>> -> memref<128x32xf32, #tpu.memory_space<vmem_shared>>
      tpu.wait_dma2 semaphore(%arg16 : memref<!tpu.dma_semaphore, #tpu.memory_space<semaphore_mem>>) src(%arg8 : memref<128x32xf32, #tpu.memory_space<vmem>>) dst(%dma_wait3A_101 : memref<128x32xf32, #tpu.memory_space<vmem_shared>>)
      %dma_wait3A_102 = arith.constant 0 : i32
      %dma_wait3A_103 = arith.constant 0 : i32
      %dma_wait3A_104 = tpu.memref_slice %arg21[%dma_wait3A_102, %dma_wait3A_103] : memref<10240x32xf32, #tpu.memory_space<vmem_shared>> -> memref<128x32xf32, #tpu.memory_space<vmem_shared>>
      %dma_wait3A_105 = arith.constant 0 : i32
      %dma_wait3A_106 = arith.constant 0 : i32
      %dma_wait3A_107 = tpu.memref_slice %arg21[%dma_wait3A_105, %dma_wait3A_106] : memref<10240x32xf32, #tpu.memory_space<vmem_shared>> -> memref<128x32xf32, #tpu.memory_space<vmem_shared>>
      tpu.wait_dma2 semaphore(%arg17 : memref<!tpu.dma_semaphore, #tpu.memory_space<semaphore_mem>>) src(%arg9 : memref<128x32xf32, #tpu.memory_space<vmem>>) dst(%dma_wait3A_107 : memref<128x32xf32, #tpu.memory_space<vmem_shared>>)
      %dma_wait3A_108 = arith.constant 0 : i32
      %dma_wait3A_109 = arith.constant 0 : i32
      %dma_wait3A_110 = tpu.memref_slice %arg21[%dma_wait3A_108, %dma_wait3A_109] : memref<10240x32xf32, #tpu.memory_space<vmem_shared>> -> memref<128x32xf32, #tpu.memory_space<vmem_shared>>
      %dma_wait3A_111 = arith.constant 0 : i32
      %dma_wait3A_112 = arith.constant 0 : i32
      %dma_wait3A_113 = tpu.memref_slice %arg21[%dma_wait3A_111, %dma_wait3A_112] : memref<10240x32xf32, #tpu.memory_space<vmem_shared>> -> memref<128x32xf32, #tpu.memory_space<vmem_shared>>
      tpu.wait_dma2 semaphore(%arg18 : memref<!tpu.dma_semaphore, #tpu.memory_space<semaphore_mem>>) src(%arg10 : memref<128x32xf32, #tpu.memory_space<vmem>>) dst(%dma_wait3A_113 : memref<128x32xf32, #tpu.memory_space<vmem_shared>>)
      %dma_wait3A_114 = arith.constant 0 : i32
      %dma_wait3A_115 = arith.constant 0 : i32
      %dma_wait3A_116 = tpu.memref_slice %arg21[%dma_wait3A_114, %dma_wait3A_115] : memref<10240x32xf32, #tpu.memory_space<vmem_shared>> -> memref<128x32xf32, #tpu.memory_space<vmem_shared>>
      %dma_wait3A_117 = arith.constant 0 : i32
      %dma_wait3A_118 = arith.constant 0 : i32
      %dma_wait3A_119 = tpu.memref_slice %arg21[%dma_wait3A_117, %dma_wait3A_118] : memref<10240x32xf32, #tpu.memory_space<vmem_shared>> -> memref<128x32xf32, #tpu.memory_space<vmem_shared>>
      tpu.wait_dma2 semaphore(%arg19 : memref<!tpu.dma_semaphore, #tpu.memory_space<semaphore_mem>>) src(%arg11 : memref<128x32xf32, #tpu.memory_space<vmem>>) dst(%dma_wait3A_119 : memref<128x32xf32, #tpu.memory_space<vmem_shared>>)
    }
    %scan3A_7 = arith.constant 5 : i32
    %barrier3A_8 = arith.constant 0 : index
    tpu.barrier barrier_id(%barrier3A_8)
    "tpu.region"() ({
      %run_scoped3A = tpu.sem_alloc : memref<!tpu.dma_semaphore, #tpu.memory_space<semaphore_mem>>
      %dma_start3A = arith.constant 0 : i32
      %dma_start3A_9 = tpu.memref_slice %arg5[%arg0, %mul3A_0, %dma_start3A] : memref<2x10240x32xf32, #tpu.memory_space<hbm>> -> memref<1x640x32xf32, #tpu.memory_space<hbm>>
      %dma_start3A_10 = tpu.memref_squeeze %dma_start3A_9 : memref<1x640x32xf32, #tpu.memory_space<hbm>> -> memref<640x32xf32, #tpu.memory_space<hbm>>
      %dma_start3A_11 = arith.constant 0 : i32
      %dma_start3A_12 = tpu.memref_slice %arg21[%mul3A_0, %dma_start3A_11] : memref<10240x32xf32, #tpu.memory_space<vmem_shared>> -> memref<640x32xf32, #tpu.memory_space<vmem_shared>>
      tpu.enqueue_dma source(%dma_start3A_12 : memref<640x32xf32, #tpu.memory_space<vmem_shared>>) target(%dma_start3A_10 : memref<640x32xf32, #tpu.memory_space<hbm>>) target_semaphore(%run_scoped3A : memref<!tpu.dma_semaphore, #tpu.memory_space<semaphore_mem>>)
      %dma_wait3A = arith.constant 0 : i32
      %dma_wait3A_13 = tpu.memref_slice %arg5[%arg0, %mul3A_0, %dma_wait3A] : memref<2x10240x32xf32, #tpu.memory_space<hbm>> -> memref<1x640x32xf32, #tpu.memory_space<hbm>>
      %dma_wait3A_14 = tpu.memref_squeeze %dma_wait3A_13 : memref<1x640x32xf32, #tpu.memory_space<hbm>> -> memref<640x32xf32, #tpu.memory_space<hbm>>
      %dma_wait3A_15 = arith.constant 0 : i32
      %dma_wait3A_16 = tpu.memref_slice %arg21[%mul3A_0, %dma_wait3A_15] : memref<10240x32xf32, #tpu.memory_space<vmem_shared>> -> memref<640x32xf32, #tpu.memory_space<vmem_shared>>
      tpu.wait_dma2 semaphore(%run_scoped3A : memref<!tpu.dma_semaphore, #tpu.memory_space<semaphore_mem>>) src(%dma_wait3A_16 : memref<640x32xf32, #tpu.memory_space<vmem_shared>>) dst(%dma_wait3A_14 : memref<640x32xf32, #tpu.memory_space<hbm>>)
      tpu.yield
    }) : () -> ()
    return
  }
}

#map = affine_map<(d0, d1) -> (0, 0)>
#map1 = affine_map<(d0, d1) -> (0)>
module attributes {stable_mosaic.version = 14 : i64} {
  func.func @body(%arg0: i32, %arg1: i32, %arg2: memref<2560x128xi32, #tpu.memory_space<hbm>>, %arg3: memref<128xf32, #tpu.memory_space<hbm>>, %arg4: memref<10240xf32, #tpu.memory_space<hbm>>, %arg5: memref<2x10240xf32, #tpu.memory_space<hbm>>, %arg6: memref<128xf32, #tpu.memory_space<vmem>>, %arg7: memref<80x128xi32, #tpu.memory_space<vmem>>, %arg8: memref<10240xf32, #tpu.memory_space<vmem_shared>>) attributes {dimension_semantics = [#tpu.dimension_semantics<core_parallel>, #tpu.dimension_semantics<subcore_parallel>], iteration_bounds = array<i64: 2, 16>, scalar_prefetch = 0 : i64, scratch_operands = 3 : i64, tpu.core_type = #tpu.core_type<sc_vector_subcore>, window_params = [{transform_indices = #map}, {transform_indices = #map1}, {transform_indices = #map1}, {transform_indices = #map}]} {
    %mul3A = arith.constant 2 : i32
    %mul3A_0 = arith.muli %arg1, %mul3A : i32
    %add3A = arith.addi %mul3A_0, %arg0 : i32
    %mul3A_1 = arith.constant 640 : i32
    %mul3A_2 = arith.muli %arg1, %mul3A_1 : i32
    %mul3A_3 = arith.constant 640 : i32
    %mul3A_4 = arith.muli %arg1, %mul3A_3 : i32
    "tpu.region"() ({
      %run_scoped3A = tpu.sem_alloc : memref<!tpu.dma_semaphore, #tpu.memory_space<semaphore_mem>>
      %dma_start3A = tpu.memref_slice %arg8[%mul3A_4] : memref<10240xf32, #tpu.memory_space<vmem_shared>> -> memref<640xf32, #tpu.memory_space<vmem_shared>>
      %dma_start3A_17 = tpu.memref_slice %arg4[%mul3A_2] : memref<10240xf32, #tpu.memory_space<hbm>> -> memref<640xf32, #tpu.memory_space<hbm>>
      tpu.enqueue_dma source(%dma_start3A_17 : memref<640xf32, #tpu.memory_space<hbm>>) target(%dma_start3A : memref<640xf32, #tpu.memory_space<vmem_shared>>) target_semaphore(%run_scoped3A : memref<!tpu.dma_semaphore, #tpu.memory_space<semaphore_mem>>)
      %dma_wait3A = tpu.memref_slice %arg8[%mul3A_4] : memref<10240xf32, #tpu.memory_space<vmem_shared>> -> memref<640xf32, #tpu.memory_space<vmem_shared>>
      %dma_wait3A_18 = tpu.memref_slice %arg4[%mul3A_2] : memref<10240xf32, #tpu.memory_space<hbm>> -> memref<640xf32, #tpu.memory_space<hbm>>
      tpu.wait_dma2 semaphore(%run_scoped3A : memref<!tpu.dma_semaphore, #tpu.memory_space<semaphore_mem>>) src(%dma_wait3A_18 : memref<640xf32, #tpu.memory_space<hbm>>) dst(%dma_wait3A : memref<640xf32, #tpu.memory_space<vmem_shared>>)
      tpu.yield
    }) : () -> ()
    "tpu.region"() ({
      %run_scoped3A = tpu.sem_alloc : memref<!tpu.dma_semaphore, #tpu.memory_space<semaphore_mem>>
      tpu.enqueue_dma source(%arg3 : memref<128xf32, #tpu.memory_space<hbm>>) target(%arg6 : memref<128xf32, #tpu.memory_space<vmem>>) target_semaphore(%run_scoped3A : memref<!tpu.dma_semaphore, #tpu.memory_space<semaphore_mem>>)
      tpu.wait_dma2 semaphore(%run_scoped3A : memref<!tpu.dma_semaphore, #tpu.memory_space<semaphore_mem>>) src(%arg3 : memref<128xf32, #tpu.memory_space<hbm>>) dst(%arg6 : memref<128xf32, #tpu.memory_space<vmem>>)
      tpu.yield
    }) : () -> ()
    %mul3A_5 = arith.constant 80 : i32
    %mul3A_6 = arith.muli %add3A, %mul3A_5 : i32
    "tpu.region"() ({
      %run_scoped3A = tpu.sem_alloc : memref<!tpu.dma_semaphore, #tpu.memory_space<semaphore_mem>>
      %dma_start3A = arith.constant 0 : i32
      %dma_start3A_17 = tpu.memref_slice %arg2[%mul3A_6, %dma_start3A] : memref<2560x128xi32, #tpu.memory_space<hbm>> -> memref<80x128xi32, #tpu.memory_space<hbm>>
      %dma_start3A_18 = arith.constant 0 : i32
      %dma_start3A_19 = tpu.memref_slice %arg2[%mul3A_6, %dma_start3A_18] : memref<2560x128xi32, #tpu.memory_space<hbm>> -> memref<80x128xi32, #tpu.memory_space<hbm>>
      tpu.enqueue_dma source(%dma_start3A_19 : memref<80x128xi32, #tpu.memory_space<hbm>>) target(%arg7 : memref<80x128xi32, #tpu.memory_space<vmem>>) target_semaphore(%run_scoped3A : memref<!tpu.dma_semaphore, #tpu.memory_space<semaphore_mem>>)
      %dma_wait3A = arith.constant 0 : i32
      %dma_wait3A_20 = tpu.memref_slice %arg2[%mul3A_6, %dma_wait3A] : memref<2560x128xi32, #tpu.memory_space<hbm>> -> memref<80x128xi32, #tpu.memory_space<hbm>>
      %dma_wait3A_21 = arith.constant 0 : i32
      %dma_wait3A_22 = tpu.memref_slice %arg2[%mul3A_6, %dma_wait3A_21] : memref<2560x128xi32, #tpu.memory_space<hbm>> -> memref<80x128xi32, #tpu.memory_space<hbm>>
      tpu.wait_dma2 semaphore(%run_scoped3A : memref<!tpu.dma_semaphore, #tpu.memory_space<semaphore_mem>>) src(%dma_wait3A_22 : memref<80x128xi32, #tpu.memory_space<hbm>>) dst(%arg7 : memref<80x128xi32, #tpu.memory_space<vmem>>)
      tpu.yield
    }) : () -> ()
    %barrier3A = arith.constant 0 : index
    tpu.barrier barrier_id(%barrier3A)
    %scan3A = arith.constant 0 : i32
    %scan3A_7 = arith.constant 0 : i32
    %scan3A_8 = arith.constant 80 : i32
    %scan3A_9 = arith.addi %scan3A_7, %scan3A_8 : i32
    %scan3A_10 = arith.constant 1 : i32
    scf.for %scan3A_17 = %scan3A_7 to %scan3A_9 step %scan3A_10  : i32 {
      "tpu.region"() ({
        %run_scoped3A = tpu.sem_alloc : memref<!tpu.dma_semaphore, #tpu.memory_space<semaphore_mem>>
        %dma_start3A = arith.constant 0 : i32
        %dma_start3A_18 = tpu.memref_slice %arg7[%scan3A_17, %dma_start3A] : memref<80x128xi32, #tpu.memory_space<vmem>> -> memref<1x128xi32, #tpu.memory_space<vmem>>
        %dma_start3A_19 = tpu.memref_squeeze %dma_start3A_18 : memref<1x128xi32, #tpu.memory_space<vmem>> -> memref<128xi32, #tpu.memory_space<vmem>>
        %dma_start3A_20 = arith.constant 0 : i32
        %dma_start3A_21 = tpu.memref_slice %arg8[%dma_start3A_20] : memref<10240xf32, #tpu.memory_space<vmem_shared>> -> memref<10240xf32, #tpu.memory_space<vmem_shared>>
        tpu.enqueue_indirect_dma source(%arg6 : memref<128xf32, #tpu.memory_space<vmem>>) target(%dma_start3A_21 : memref<10240xf32, #tpu.memory_space<vmem_shared>>) offsets(%dma_start3A_19 : memref<128xi32, #tpu.memory_space<vmem>>) semaphore(%run_scoped3A : memref<!tpu.dma_semaphore, #tpu.memory_space<semaphore_mem>>) {add = true}
        %dma_wait3A = arith.constant 0 : i32
        %dma_wait3A_22 = tpu.memref_slice %arg7[%scan3A_17, %dma_wait3A] : memref<80x128xi32, #tpu.memory_space<vmem>> -> memref<1x128xi32, #tpu.memory_space<vmem>>
        %dma_wait3A_23 = tpu.memref_squeeze %dma_wait3A_22 : memref<1x128xi32, #tpu.memory_space<vmem>> -> memref<128xi32, #tpu.memory_space<vmem>>
        %dma_wait3A_24 = arith.constant 0 : i32
        %dma_wait3A_25 = tpu.memref_slice %arg8[%dma_wait3A_24] : memref<10240xf32, #tpu.memory_space<vmem_shared>> -> memref<10240xf32, #tpu.memory_space<vmem_shared>>
        tpu.wait_indirect_dma semaphore(%run_scoped3A : memref<!tpu.dma_semaphore, #tpu.memory_space<semaphore_mem>>) src(%arg6 : memref<128xf32, #tpu.memory_space<vmem>>) dst(%dma_wait3A_25 : memref<10240xf32, #tpu.memory_space<vmem_shared>>)
        tpu.yield
      }) : () -> ()
    }
    %scan3A_11 = arith.constant 80 : i32
    %barrier3A_12 = arith.constant 0 : index
    tpu.barrier barrier_id(%barrier3A_12)
    %mul3A_13 = arith.constant 640 : i32
    %mul3A_14 = arith.muli %arg1, %mul3A_13 : i32
    %mul3A_15 = arith.constant 640 : i32
    %mul3A_16 = arith.muli %arg1, %mul3A_15 : i32
    "tpu.region"() ({
      %run_scoped3A = tpu.sem_alloc : memref<!tpu.dma_semaphore, #tpu.memory_space<semaphore_mem>>
      %dma_start3A = tpu.memref_slice %arg5[%arg0, %mul3A_16] : memref<2x10240xf32, #tpu.memory_space<hbm>> -> memref<1x640xf32, #tpu.memory_space<hbm>>
      %dma_start3A_17 = tpu.memref_squeeze %dma_start3A : memref<1x640xf32, #tpu.memory_space<hbm>> -> memref<640xf32, #tpu.memory_space<hbm>>
      %dma_start3A_18 = tpu.memref_slice %arg8[%mul3A_14] : memref<10240xf32, #tpu.memory_space<vmem_shared>> -> memref<640xf32, #tpu.memory_space<vmem_shared>>
      tpu.enqueue_dma source(%dma_start3A_18 : memref<640xf32, #tpu.memory_space<vmem_shared>>) target(%dma_start3A_17 : memref<640xf32, #tpu.memory_space<hbm>>) target_semaphore(%run_scoped3A : memref<!tpu.dma_semaphore, #tpu.memory_space<semaphore_mem>>)
      %dma_wait3A = tpu.memref_slice %arg5[%arg0, %mul3A_16] : memref<2x10240xf32, #tpu.memory_space<hbm>> -> memref<1x640xf32, #tpu.memory_space<hbm>>
      %dma_wait3A_19 = tpu.memref_squeeze %dma_wait3A : memref<1x640xf32, #tpu.memory_space<hbm>> -> memref<640xf32, #tpu.memory_space<hbm>>
      %dma_wait3A_20 = tpu.memref_slice %arg8[%mul3A_14] : memref<10240xf32, #tpu.memory_space<vmem_shared>> -> memref<640xf32, #tpu.memory_space<vmem_shared>>
      tpu.wait_dma2 semaphore(%run_scoped3A : memref<!tpu.dma_semaphore, #tpu.memory_space<semaphore_mem>>) src(%dma_wait3A_20 : memref<640xf32, #tpu.memory_space<vmem_shared>>) dst(%dma_wait3A_19 : memref<640xf32, #tpu.memory_space<hbm>>)
      tpu.yield
    }) : () -> ()
    return
  }
}

#map = affine_map<(d0, d1) -> (0, 0, 0)>
#map1 = affine_map<(d0, d1) -> (0, 0)>
module attributes {stable_mosaic.version = 14 : i64} {
  func.func @body(%arg0: i32, %arg1: i32, %arg2: memref<2x10240x64xf32, #tpu.memory_space<hbm>>, %arg3: memref<2560x128xi32, #tpu.memory_space<hbm>>, %arg4: memref<2560x128xi32, #tpu.memory_space<hbm>>, %arg5: memref<2x10240x64xf32, #tpu.memory_space<hbm>>, %arg6: memref<32x128xi32, #tpu.memory_space<vmem>>, %arg7: memref<32x128xi32, #tpu.memory_space<vmem>>, %arg8: memref<128x64xf32, #tpu.memory_space<vmem>>, %arg9: memref<128x64xf32, #tpu.memory_space<vmem>>, %arg10: memref<128x64xf32, #tpu.memory_space<vmem>>, %arg11: memref<128x64xf32, #tpu.memory_space<vmem>>, %arg12: memref<!tpu.dma_semaphore, #tpu.memory_space<semaphore_mem>>, %arg13: memref<!tpu.dma_semaphore, #tpu.memory_space<semaphore_mem>>, %arg14: memref<!tpu.dma_semaphore, #tpu.memory_space<semaphore_mem>>, %arg15: memref<!tpu.dma_semaphore, #tpu.memory_space<semaphore_mem>>, %arg16: memref<!tpu.dma_semaphore, #tpu.memory_space<semaphore_mem>>, %arg17: memref<!tpu.dma_semaphore, #tpu.memory_space<semaphore_mem>>, %arg18: memref<!tpu.dma_semaphore, #tpu.memory_space<semaphore_mem>>, %arg19: memref<!tpu.dma_semaphore, #tpu.memory_space<semaphore_mem>>, %arg20: memref<10240x64xf32, #tpu.memory_space<vmem_shared>>, %arg21: memref<10240x64xf32, #tpu.memory_space<vmem_shared>>) attributes {dimension_semantics = [#tpu.dimension_semantics<core_parallel>, #tpu.dimension_semantics<subcore_parallel>], iteration_bounds = array<i64: 2, 16>, scalar_prefetch = 0 : i64, scratch_operands = 16 : i64, tpu.core_type = #tpu.core_type<sc_vector_subcore>, window_params = [{transform_indices = #map}, {transform_indices = #map1}, {transform_indices = #map1}, {transform_indices = #map}]} {
    %mul3A = arith.constant 640 : i32
    %mul3A_0 = arith.muli %arg1, %mul3A : i32
    "tpu.region"() ({
      %run_scoped3A = tpu.sem_alloc : memref<!tpu.dma_semaphore, #tpu.memory_space<semaphore_mem>>
      %dma_start3A = arith.constant 0 : i32
      %dma_start3A_9 = tpu.memref_slice %arg20[%mul3A_0, %dma_start3A] : memref<10240x64xf32, #tpu.memory_space<vmem_shared>> -> memref<640x64xf32, #tpu.memory_space<vmem_shared>>
      %dma_start3A_10 = arith.constant 0 : i32
      %dma_start3A_11 = tpu.memref_slice %arg2[%arg0, %mul3A_0, %dma_start3A_10] : memref<2x10240x64xf32, #tpu.memory_space<hbm>> -> memref<1x640x64xf32, #tpu.memory_space<hbm>>
      %dma_start3A_12 = tpu.memref_squeeze %dma_start3A_11 : memref<1x640x64xf32, #tpu.memory_space<hbm>> -> memref<640x64xf32, #tpu.memory_space<hbm>>
      tpu.enqueue_dma source(%dma_start3A_12 : memref<640x64xf32, #tpu.memory_space<hbm>>) target(%dma_start3A_9 : memref<640x64xf32, #tpu.memory_space<vmem_shared>>) target_semaphore(%run_scoped3A : memref<!tpu.dma_semaphore, #tpu.memory_space<semaphore_mem>>)
      %dma_wait3A = arith.constant 0 : i32
      %dma_wait3A_13 = tpu.memref_slice %arg20[%mul3A_0, %dma_wait3A] : memref<10240x64xf32, #tpu.memory_space<vmem_shared>> -> memref<640x64xf32, #tpu.memory_space<vmem_shared>>
      %dma_wait3A_14 = arith.constant 0 : i32
      %dma_wait3A_15 = tpu.memref_slice %arg2[%arg0, %mul3A_0, %dma_wait3A_14] : memref<2x10240x64xf32, #tpu.memory_space<hbm>> -> memref<1x640x64xf32, #tpu.memory_space<hbm>>
      %dma_wait3A_16 = tpu.memref_squeeze %dma_wait3A_15 : memref<1x640x64xf32, #tpu.memory_space<hbm>> -> memref<640x64xf32, #tpu.memory_space<hbm>>
      tpu.wait_dma2 semaphore(%run_scoped3A : memref<!tpu.dma_semaphore, #tpu.memory_space<semaphore_mem>>) src(%dma_wait3A_16 : memref<640x64xf32, #tpu.memory_space<hbm>>) dst(%dma_wait3A_13 : memref<640x64xf32, #tpu.memory_space<vmem_shared>>)
      tpu.yield
    }) : () -> ()
    "tpu.region"() ({
      %run_scoped3A = tpu.sem_alloc : memref<!tpu.dma_semaphore, #tpu.memory_space<semaphore_mem>>
      %dma_start3A = arith.constant 0 : i32
      %dma_start3A_9 = tpu.memref_slice %arg21[%mul3A_0, %dma_start3A] : memref<10240x64xf32, #tpu.memory_space<vmem_shared>> -> memref<640x64xf32, #tpu.memory_space<vmem_shared>>
      %dma_start3A_10 = arith.constant 0 : i32
      %dma_start3A_11 = tpu.memref_slice %arg2[%arg0, %mul3A_0, %dma_start3A_10] : memref<2x10240x64xf32, #tpu.memory_space<hbm>> -> memref<1x640x64xf32, #tpu.memory_space<hbm>>
      %dma_start3A_12 = tpu.memref_squeeze %dma_start3A_11 : memref<1x640x64xf32, #tpu.memory_space<hbm>> -> memref<640x64xf32, #tpu.memory_space<hbm>>
      tpu.enqueue_dma source(%dma_start3A_12 : memref<640x64xf32, #tpu.memory_space<hbm>>) target(%dma_start3A_9 : memref<640x64xf32, #tpu.memory_space<vmem_shared>>) target_semaphore(%run_scoped3A : memref<!tpu.dma_semaphore, #tpu.memory_space<semaphore_mem>>)
      %dma_wait3A = arith.constant 0 : i32
      %dma_wait3A_13 = tpu.memref_slice %arg21[%mul3A_0, %dma_wait3A] : memref<10240x64xf32, #tpu.memory_space<vmem_shared>> -> memref<640x64xf32, #tpu.memory_space<vmem_shared>>
      %dma_wait3A_14 = arith.constant 0 : i32
      %dma_wait3A_15 = tpu.memref_slice %arg2[%arg0, %mul3A_0, %dma_wait3A_14] : memref<2x10240x64xf32, #tpu.memory_space<hbm>> -> memref<1x640x64xf32, #tpu.memory_space<hbm>>
      %dma_wait3A_16 = tpu.memref_squeeze %dma_wait3A_15 : memref<1x640x64xf32, #tpu.memory_space<hbm>> -> memref<640x64xf32, #tpu.memory_space<hbm>>
      tpu.wait_dma2 semaphore(%run_scoped3A : memref<!tpu.dma_semaphore, #tpu.memory_space<semaphore_mem>>) src(%dma_wait3A_16 : memref<640x64xf32, #tpu.memory_space<hbm>>) dst(%dma_wait3A_13 : memref<640x64xf32, #tpu.memory_space<vmem_shared>>)
      tpu.yield
    }) : () -> ()
    %barrier3A = arith.constant 0 : index
    tpu.barrier barrier_id(%barrier3A)
    %mul3A_1 = arith.constant 160 : i32
    %mul3A_2 = arith.muli %arg1, %mul3A_1 : i32
    %scan3A = arith.constant 0 : i32
    %scan3A_3 = arith.constant 0 : i32
    %scan3A_4 = arith.constant 5 : i32
    %scan3A_5 = arith.addi %scan3A_3, %scan3A_4 : i32
    %scan3A_6 = arith.constant 1 : i32
    scf.for %scan3A_9 = %scan3A_3 to %scan3A_5 step %scan3A_6  : i32 {
      %mul3A_10 = arith.constant 32 : i32
      %mul3A_11 = arith.muli %scan3A_9, %mul3A_10 : i32
      %add3A = arith.addi %mul3A_2, %mul3A_11 : i32
      "tpu.region"() ({
        %run_scoped3A = tpu.sem_alloc : memref<!tpu.dma_semaphore, #tpu.memory_space<semaphore_mem>>
        %dma_start3A_120 = arith.constant 0 : i32
        %dma_start3A_121 = tpu.memref_slice %arg3[%add3A, %dma_start3A_120] : memref<2560x128xi32, #tpu.memory_space<hbm>> -> memref<32x128xi32, #tpu.memory_space<hbm>>
        %dma_start3A_122 = arith.constant 0 : i32
        %dma_start3A_123 = tpu.memref_slice %arg3[%add3A, %dma_start3A_122] : memref<2560x128xi32, #tpu.memory_space<hbm>> -> memref<32x128xi32, #tpu.memory_space<hbm>>
        tpu.enqueue_dma source(%dma_start3A_123 : memref<32x128xi32, #tpu.memory_space<hbm>>) target(%arg6 : memref<32x128xi32, #tpu.memory_space<vmem>>) target_semaphore(%run_scoped3A : memref<!tpu.dma_semaphore, #tpu.memory_space<semaphore_mem>>)
        %dma_wait3A_124 = arith.constant 0 : i32
        %dma_wait3A_125 = tpu.memref_slice %arg3[%add3A, %dma_wait3A_124] : memref<2560x128xi32, #tpu.memory_space<hbm>> -> memref<32x128xi32, #tpu.memory_space<hbm>>
        %dma_wait3A_126 = arith.constant 0 : i32
        %dma_wait3A_127 = tpu.memref_slice %arg3[%add3A, %dma_wait3A_126] : memref<2560x128xi32, #tpu.memory_space<hbm>> -> memref<32x128xi32, #tpu.memory_space<hbm>>
        tpu.wait_dma2 semaphore(%run_scoped3A : memref<!tpu.dma_semaphore, #tpu.memory_space<semaphore_mem>>) src(%dma_wait3A_127 : memref<32x128xi32, #tpu.memory_space<hbm>>) dst(%arg6 : memref<32x128xi32, #tpu.memory_space<vmem>>)
        tpu.yield
      }) : () -> ()
      "tpu.region"() ({
        %run_scoped3A = tpu.sem_alloc : memref<!tpu.dma_semaphore, #tpu.memory_space<semaphore_mem>>
        %dma_start3A_120 = arith.constant 0 : i32
        %dma_start3A_121 = tpu.memref_slice %arg4[%add3A, %dma_start3A_120] : memref<2560x128xi32, #tpu.memory_space<hbm>> -> memref<32x128xi32, #tpu.memory_space<hbm>>
        %dma_start3A_122 = arith.constant 0 : i32
        %dma_start3A_123 = tpu.memref_slice %arg4[%add3A, %dma_start3A_122] : memref<2560x128xi32, #tpu.memory_space<hbm>> -> memref<32x128xi32, #tpu.memory_space<hbm>>
        tpu.enqueue_dma source(%dma_start3A_123 : memref<32x128xi32, #tpu.memory_space<hbm>>) target(%arg7 : memref<32x128xi32, #tpu.memory_space<vmem>>) target_semaphore(%run_scoped3A : memref<!tpu.dma_semaphore, #tpu.memory_space<semaphore_mem>>)
        %dma_wait3A_124 = arith.constant 0 : i32
        %dma_wait3A_125 = tpu.memref_slice %arg4[%add3A, %dma_wait3A_124] : memref<2560x128xi32, #tpu.memory_space<hbm>> -> memref<32x128xi32, #tpu.memory_space<hbm>>
        %dma_wait3A_126 = arith.constant 0 : i32
        %dma_wait3A_127 = tpu.memref_slice %arg4[%add3A, %dma_wait3A_126] : memref<2560x128xi32, #tpu.memory_space<hbm>> -> memref<32x128xi32, #tpu.memory_space<hbm>>
        tpu.wait_dma2 semaphore(%run_scoped3A : memref<!tpu.dma_semaphore, #tpu.memory_space<semaphore_mem>>) src(%dma_wait3A_127 : memref<32x128xi32, #tpu.memory_space<hbm>>) dst(%arg7 : memref<32x128xi32, #tpu.memory_space<vmem>>)
        tpu.yield
      }) : () -> ()
      %dma_start3A = arith.constant 0 : i32
      %dma_start3A_12 = arith.constant 0 : i32
      %dma_start3A_13 = tpu.memref_slice %arg6[%dma_start3A, %dma_start3A_12] : memref<32x128xi32, #tpu.memory_space<vmem>> -> memref<1x128xi32, #tpu.memory_space<vmem>>
      %dma_start3A_14 = tpu.memref_squeeze %dma_start3A_13 : memref<1x128xi32, #tpu.memory_space<vmem>> -> memref<128xi32, #tpu.memory_space<vmem>>
      %dma_start3A_15 = arith.constant 0 : i32
      %dma_start3A_16 = arith.constant 0 : i32
      %dma_start3A_17 = tpu.memref_slice %arg20[%dma_start3A_15, %dma_start3A_16] : memref<10240x64xf32, #tpu.memory_space<vmem_shared>> -> memref<10240x64xf32, #tpu.memory_space<vmem_shared>>
      tpu.enqueue_indirect_dma source(%dma_start3A_17 : memref<10240x64xf32, #tpu.memory_space<vmem_shared>>) target(%arg8 : memref<128x64xf32, #tpu.memory_space<vmem>>) offsets(%dma_start3A_14 : memref<128xi32, #tpu.memory_space<vmem>>) semaphore(%arg12 : memref<!tpu.dma_semaphore, #tpu.memory_space<semaphore_mem>>)
      %dma_start3A_18 = arith.constant 1 : i32
      %dma_start3A_19 = arith.constant 0 : i32
      %dma_start3A_20 = tpu.memref_slice %arg6[%dma_start3A_18, %dma_start3A_19] : memref<32x128xi32, #tpu.memory_space<vmem>> -> memref<1x128xi32, #tpu.memory_space<vmem>>
      %dma_start3A_21 = tpu.memref_squeeze %dma_start3A_20 : memref<1x128xi32, #tpu.memory_space<vmem>> -> memref<128xi32, #tpu.memory_space<vmem>>
      %dma_start3A_22 = arith.constant 0 : i32
      %dma_start3A_23 = arith.constant 0 : i32
      %dma_start3A_24 = tpu.memref_slice %arg20[%dma_start3A_22, %dma_start3A_23] : memref<10240x64xf32, #tpu.memory_space<vmem_shared>> -> memref<10240x64xf32, #tpu.memory_space<vmem_shared>>
      tpu.enqueue_indirect_dma source(%dma_start3A_24 : memref<10240x64xf32, #tpu.memory_space<vmem_shared>>) target(%arg9 : memref<128x64xf32, #tpu.memory_space<vmem>>) offsets(%dma_start3A_21 : memref<128xi32, #tpu.memory_space<vmem>>) semaphore(%arg13 : memref<!tpu.dma_semaphore, #tpu.memory_space<semaphore_mem>>)
      %dma_start3A_25 = arith.constant 2 : i32
      %dma_start3A_26 = arith.constant 0 : i32
      %dma_start3A_27 = tpu.memref_slice %arg6[%dma_start3A_25, %dma_start3A_26] : memref<32x128xi32, #tpu.memory_space<vmem>> -> memref<1x128xi32, #tpu.memory_space<vmem>>
      %dma_start3A_28 = tpu.memref_squeeze %dma_start3A_27 : memref<1x128xi32, #tpu.memory_space<vmem>> -> memref<128xi32, #tpu.memory_space<vmem>>
      %dma_start3A_29 = arith.constant 0 : i32
      %dma_start3A_30 = arith.constant 0 : i32
      %dma_start3A_31 = tpu.memref_slice %arg20[%dma_start3A_29, %dma_start3A_30] : memref<10240x64xf32, #tpu.memory_space<vmem_shared>> -> memref<10240x64xf32, #tpu.memory_space<vmem_shared>>
      tpu.enqueue_indirect_dma source(%dma_start3A_31 : memref<10240x64xf32, #tpu.memory_space<vmem_shared>>) target(%arg10 : memref<128x64xf32, #tpu.memory_space<vmem>>) offsets(%dma_start3A_28 : memref<128xi32, #tpu.memory_space<vmem>>) semaphore(%arg14 : memref<!tpu.dma_semaphore, #tpu.memory_space<semaphore_mem>>)
      %dma_start3A_32 = arith.constant 3 : i32
      %dma_start3A_33 = arith.constant 0 : i32
      %dma_start3A_34 = tpu.memref_slice %arg6[%dma_start3A_32, %dma_start3A_33] : memref<32x128xi32, #tpu.memory_space<vmem>> -> memref<1x128xi32, #tpu.memory_space<vmem>>
      %dma_start3A_35 = tpu.memref_squeeze %dma_start3A_34 : memref<1x128xi32, #tpu.memory_space<vmem>> -> memref<128xi32, #tpu.memory_space<vmem>>
      %dma_start3A_36 = arith.constant 0 : i32
      %dma_start3A_37 = arith.constant 0 : i32
      %dma_start3A_38 = tpu.memref_slice %arg20[%dma_start3A_36, %dma_start3A_37] : memref<10240x64xf32, #tpu.memory_space<vmem_shared>> -> memref<10240x64xf32, #tpu.memory_space<vmem_shared>>
      tpu.enqueue_indirect_dma source(%dma_start3A_38 : memref<10240x64xf32, #tpu.memory_space<vmem_shared>>) target(%arg11 : memref<128x64xf32, #tpu.memory_space<vmem>>) offsets(%dma_start3A_35 : memref<128xi32, #tpu.memory_space<vmem>>) semaphore(%arg15 : memref<!tpu.dma_semaphore, #tpu.memory_space<semaphore_mem>>)
      %scan3A_39 = arith.constant 0 : i32
      %scan3A_40 = arith.constant 0 : i32
      %scan3A_41 = arith.constant 7 : i32
      %scan3A_42 = arith.addi %scan3A_40, %scan3A_41 : i32
      %scan3A_43 = arith.constant 1 : i32
      scf.for %scan3A_120 = %scan3A_40 to %scan3A_42 step %scan3A_43  : i32 {
        %mul3A_121 = arith.constant 4 : i32
        %mul3A_122 = arith.muli %mul3A_121, %scan3A_120 : i32
        %add3A_123 = arith.constant 4 : i32
        %add3A_124 = arith.addi %mul3A_122, %add3A_123 : i32
        %dma_wait3A_125 = arith.constant 0 : i32
        %dma_wait3A_126 = arith.constant 0 : i32
        %dma_wait3A_127 = tpu.memref_slice %arg20[%dma_wait3A_125, %dma_wait3A_126] : memref<10240x64xf32, #tpu.memory_space<vmem_shared>> -> memref<128x64xf32, #tpu.memory_space<vmem_shared>>
        %dma_wait3A_128 = arith.constant 0 : i32
        %dma_wait3A_129 = arith.constant 0 : i32
        %dma_wait3A_130 = tpu.memref_slice %arg20[%dma_wait3A_128, %dma_wait3A_129] : memref<10240x64xf32, #tpu.memory_space<vmem_shared>> -> memref<128x64xf32, #tpu.memory_space<vmem_shared>>
        tpu.wait_dma2 semaphore(%arg12 : memref<!tpu.dma_semaphore, #tpu.memory_space<semaphore_mem>>) src(%dma_wait3A_130 : memref<128x64xf32, #tpu.memory_space<vmem_shared>>) dst(%arg8 : memref<128x64xf32, #tpu.memory_space<vmem>>)
        %sub3A = arith.constant 4 : i32
        %sub3A_131 = arith.subi %add3A_124, %sub3A : i32
        %add3A_132 = arith.constant 0 : i32
        %add3A_133 = arith.addi %sub3A_131, %add3A_132 : i32
        %dma_start3A_134 = arith.constant 0 : i32
        %dma_start3A_135 = tpu.memref_slice %arg7[%add3A_133, %dma_start3A_134] : memref<32x128xi32, #tpu.memory_space<vmem>> -> memref<1x128xi32, #tpu.memory_space<vmem>>
        %dma_start3A_136 = tpu.memref_squeeze %dma_start3A_135 : memref<1x128xi32, #tpu.memory_space<vmem>> -> memref<128xi32, #tpu.memory_space<vmem>>
        %dma_start3A_137 = arith.constant 0 : i32
        %dma_start3A_138 = arith.constant 0 : i32
        %dma_start3A_139 = tpu.memref_slice %arg21[%dma_start3A_137, %dma_start3A_138] : memref<10240x64xf32, #tpu.memory_space<vmem_shared>> -> memref<10240x64xf32, #tpu.memory_space<vmem_shared>>
        tpu.enqueue_indirect_dma source(%arg8 : memref<128x64xf32, #tpu.memory_space<vmem>>) target(%dma_start3A_139 : memref<10240x64xf32, #tpu.memory_space<vmem_shared>>) offsets(%dma_start3A_136 : memref<128xi32, #tpu.memory_space<vmem>>) semaphore(%arg16 : memref<!tpu.dma_semaphore, #tpu.memory_space<semaphore_mem>>) {add = true}
        %dma_wait3A_140 = arith.constant 0 : i32
        %dma_wait3A_141 = arith.constant 0 : i32
        %dma_wait3A_142 = tpu.memref_slice %arg20[%dma_wait3A_140, %dma_wait3A_141] : memref<10240x64xf32, #tpu.memory_space<vmem_shared>> -> memref<128x64xf32, #tpu.memory_space<vmem_shared>>
        %dma_wait3A_143 = arith.constant 0 : i32
        %dma_wait3A_144 = arith.constant 0 : i32
        %dma_wait3A_145 = tpu.memref_slice %arg20[%dma_wait3A_143, %dma_wait3A_144] : memref<10240x64xf32, #tpu.memory_space<vmem_shared>> -> memref<128x64xf32, #tpu.memory_space<vmem_shared>>
        tpu.wait_dma2 semaphore(%arg13 : memref<!tpu.dma_semaphore, #tpu.memory_space<semaphore_mem>>) src(%dma_wait3A_145 : memref<128x64xf32, #tpu.memory_space<vmem_shared>>) dst(%arg9 : memref<128x64xf32, #tpu.memory_space<vmem>>)
        %sub3A_146 = arith.constant 4 : i32
        %sub3A_147 = arith.subi %add3A_124, %sub3A_146 : i32
        %add3A_148 = arith.constant 1 : i32
        %add3A_149 = arith.addi %sub3A_147, %add3A_148 : i32
        %dma_start3A_150 = arith.constant 0 : i32
        %dma_start3A_151 = tpu.memref_slice %arg7[%add3A_149, %dma_start3A_150] : memref<32x128xi32, #tpu.memory_space<vmem>> -> memref<1x128xi32, #tpu.memory_space<vmem>>
        %dma_start3A_152 = tpu.memref_squeeze %dma_start3A_151 : memref<1x128xi32, #tpu.memory_space<vmem>> -> memref<128xi32, #tpu.memory_space<vmem>>
        %dma_start3A_153 = arith.constant 0 : i32
        %dma_start3A_154 = arith.constant 0 : i32
        %dma_start3A_155 = tpu.memref_slice %arg21[%dma_start3A_153, %dma_start3A_154] : memref<10240x64xf32, #tpu.memory_space<vmem_shared>> -> memref<10240x64xf32, #tpu.memory_space<vmem_shared>>
        tpu.enqueue_indirect_dma source(%arg9 : memref<128x64xf32, #tpu.memory_space<vmem>>) target(%dma_start3A_155 : memref<10240x64xf32, #tpu.memory_space<vmem_shared>>) offsets(%dma_start3A_152 : memref<128xi32, #tpu.memory_space<vmem>>) semaphore(%arg17 : memref<!tpu.dma_semaphore, #tpu.memory_space<semaphore_mem>>) {add = true}
        %dma_wait3A_156 = arith.constant 0 : i32
        %dma_wait3A_157 = arith.constant 0 : i32
        %dma_wait3A_158 = tpu.memref_slice %arg20[%dma_wait3A_156, %dma_wait3A_157] : memref<10240x64xf32, #tpu.memory_space<vmem_shared>> -> memref<128x64xf32, #tpu.memory_space<vmem_shared>>
        %dma_wait3A_159 = arith.constant 0 : i32
        %dma_wait3A_160 = arith.constant 0 : i32
        %dma_wait3A_161 = tpu.memref_slice %arg20[%dma_wait3A_159, %dma_wait3A_160] : memref<10240x64xf32, #tpu.memory_space<vmem_shared>> -> memref<128x64xf32, #tpu.memory_space<vmem_shared>>
        tpu.wait_dma2 semaphore(%arg14 : memref<!tpu.dma_semaphore, #tpu.memory_space<semaphore_mem>>) src(%dma_wait3A_161 : memref<128x64xf32, #tpu.memory_space<vmem_shared>>) dst(%arg10 : memref<128x64xf32, #tpu.memory_space<vmem>>)
        %sub3A_162 = arith.constant 4 : i32
        %sub3A_163 = arith.subi %add3A_124, %sub3A_162 : i32
        %add3A_164 = arith.constant 2 : i32
        %add3A_165 = arith.addi %sub3A_163, %add3A_164 : i32
        %dma_start3A_166 = arith.constant 0 : i32
        %dma_start3A_167 = tpu.memref_slice %arg7[%add3A_165, %dma_start3A_166] : memref<32x128xi32, #tpu.memory_space<vmem>> -> memref<1x128xi32, #tpu.memory_space<vmem>>
        %dma_start3A_168 = tpu.memref_squeeze %dma_start3A_167 : memref<1x128xi32, #tpu.memory_space<vmem>> -> memref<128xi32, #tpu.memory_space<vmem>>
        %dma_start3A_169 = arith.constant 0 : i32
        %dma_start3A_170 = arith.constant 0 : i32
        %dma_start3A_171 = tpu.memref_slice %arg21[%dma_start3A_169, %dma_start3A_170] : memref<10240x64xf32, #tpu.memory_space<vmem_shared>> -> memref<10240x64xf32, #tpu.memory_space<vmem_shared>>
        tpu.enqueue_indirect_dma source(%arg10 : memref<128x64xf32, #tpu.memory_space<vmem>>) target(%dma_start3A_171 : memref<10240x64xf32, #tpu.memory_space<vmem_shared>>) offsets(%dma_start3A_168 : memref<128xi32, #tpu.memory_space<vmem>>) semaphore(%arg18 : memref<!tpu.dma_semaphore, #tpu.memory_space<semaphore_mem>>) {add = true}
        %dma_wait3A_172 = arith.constant 0 : i32
        %dma_wait3A_173 = arith.constant 0 : i32
        %dma_wait3A_174 = tpu.memref_slice %arg20[%dma_wait3A_172, %dma_wait3A_173] : memref<10240x64xf32, #tpu.memory_space<vmem_shared>> -> memref<128x64xf32, #tpu.memory_space<vmem_shared>>
        %dma_wait3A_175 = arith.constant 0 : i32
        %dma_wait3A_176 = arith.constant 0 : i32
        %dma_wait3A_177 = tpu.memref_slice %arg20[%dma_wait3A_175, %dma_wait3A_176] : memref<10240x64xf32, #tpu.memory_space<vmem_shared>> -> memref<128x64xf32, #tpu.memory_space<vmem_shared>>
        tpu.wait_dma2 semaphore(%arg15 : memref<!tpu.dma_semaphore, #tpu.memory_space<semaphore_mem>>) src(%dma_wait3A_177 : memref<128x64xf32, #tpu.memory_space<vmem_shared>>) dst(%arg11 : memref<128x64xf32, #tpu.memory_space<vmem>>)
        %sub3A_178 = arith.constant 4 : i32
        %sub3A_179 = arith.subi %add3A_124, %sub3A_178 : i32
        %add3A_180 = arith.constant 3 : i32
        %add3A_181 = arith.addi %sub3A_179, %add3A_180 : i32
        %dma_start3A_182 = arith.constant 0 : i32
        %dma_start3A_183 = tpu.memref_slice %arg7[%add3A_181, %dma_start3A_182] : memref<32x128xi32, #tpu.memory_space<vmem>> -> memref<1x128xi32, #tpu.memory_space<vmem>>
        %dma_start3A_184 = tpu.memref_squeeze %dma_start3A_183 : memref<1x128xi32, #tpu.memory_space<vmem>> -> memref<128xi32, #tpu.memory_space<vmem>>
        %dma_start3A_185 = arith.constant 0 : i32
        %dma_start3A_186 = arith.constant 0 : i32
        %dma_start3A_187 = tpu.memref_slice %arg21[%dma_start3A_185, %dma_start3A_186] : memref<10240x64xf32, #tpu.memory_space<vmem_shared>> -> memref<10240x64xf32, #tpu.memory_space<vmem_shared>>
        tpu.enqueue_indirect_dma source(%arg11 : memref<128x64xf32, #tpu.memory_space<vmem>>) target(%dma_start3A_187 : memref<10240x64xf32, #tpu.memory_space<vmem_shared>>) offsets(%dma_start3A_184 : memref<128xi32, #tpu.memory_space<vmem>>) semaphore(%arg19 : memref<!tpu.dma_semaphore, #tpu.memory_space<semaphore_mem>>) {add = true}
        %dma_wait3A_188 = arith.constant 0 : i32
        %dma_wait3A_189 = arith.constant 0 : i32
        %dma_wait3A_190 = tpu.memref_slice %arg21[%dma_wait3A_188, %dma_wait3A_189] : memref<10240x64xf32, #tpu.memory_space<vmem_shared>> -> memref<128x64xf32, #tpu.memory_space<vmem_shared>>
        %dma_wait3A_191 = arith.constant 0 : i32
        %dma_wait3A_192 = arith.constant 0 : i32
        %dma_wait3A_193 = tpu.memref_slice %arg21[%dma_wait3A_191, %dma_wait3A_192] : memref<10240x64xf32, #tpu.memory_space<vmem_shared>> -> memref<128x64xf32, #tpu.memory_space<vmem_shared>>
        tpu.wait_dma2 semaphore(%arg16 : memref<!tpu.dma_semaphore, #tpu.memory_space<semaphore_mem>>) src(%arg8 : memref<128x64xf32, #tpu.memory_space<vmem>>) dst(%dma_wait3A_193 : memref<128x64xf32, #tpu.memory_space<vmem_shared>>)
        %add3A_194 = arith.constant 0 : i32
        %add3A_195 = arith.addi %add3A_124, %add3A_194 : i32
        %dma_start3A_196 = arith.constant 0 : i32
        %dma_start3A_197 = tpu.memref_slice %arg6[%add3A_195, %dma_start3A_196] : memref<32x128xi32, #tpu.memory_space<vmem>> -> memref<1x128xi32, #tpu.memory_space<vmem>>
        %dma_start3A_198 = tpu.memref_squeeze %dma_start3A_197 : memref<1x128xi32, #tpu.memory_space<vmem>> -> memref<128xi32, #tpu.memory_space<vmem>>
        %dma_start3A_199 = arith.constant 0 : i32
        %dma_start3A_200 = arith.constant 0 : i32
        %dma_start3A_201 = tpu.memref_slice %arg20[%dma_start3A_199, %dma_start3A_200] : memref<10240x64xf32, #tpu.memory_space<vmem_shared>> -> memref<10240x64xf32, #tpu.memory_space<vmem_shared>>
        tpu.enqueue_indirect_dma source(%dma_start3A_201 : memref<10240x64xf32, #tpu.memory_space<vmem_shared>>) target(%arg8 : memref<128x64xf32, #tpu.memory_space<vmem>>) offsets(%dma_start3A_198 : memref<128xi32, #tpu.memory_space<vmem>>) semaphore(%arg12 : memref<!tpu.dma_semaphore, #tpu.memory_space<semaphore_mem>>)
        %dma_wait3A_202 = arith.constant 0 : i32
        %dma_wait3A_203 = arith.constant 0 : i32
        %dma_wait3A_204 = tpu.memref_slice %arg21[%dma_wait3A_202, %dma_wait3A_203] : memref<10240x64xf32, #tpu.memory_space<vmem_shared>> -> memref<128x64xf32, #tpu.memory_space<vmem_shared>>
        %dma_wait3A_205 = arith.constant 0 : i32
        %dma_wait3A_206 = arith.constant 0 : i32
        %dma_wait3A_207 = tpu.memref_slice %arg21[%dma_wait3A_205, %dma_wait3A_206] : memref<10240x64xf32, #tpu.memory_space<vmem_shared>> -> memref<128x64xf32, #tpu.memory_space<vmem_shared>>
        tpu.wait_dma2 semaphore(%arg17 : memref<!tpu.dma_semaphore, #tpu.memory_space<semaphore_mem>>) src(%arg9 : memref<128x64xf32, #tpu.memory_space<vmem>>) dst(%dma_wait3A_207 : memref<128x64xf32, #tpu.memory_space<vmem_shared>>)
        %add3A_208 = arith.constant 1 : i32
        %add3A_209 = arith.addi %add3A_124, %add3A_208 : i32
        %dma_start3A_210 = arith.constant 0 : i32
        %dma_start3A_211 = tpu.memref_slice %arg6[%add3A_209, %dma_start3A_210] : memref<32x128xi32, #tpu.memory_space<vmem>> -> memref<1x128xi32, #tpu.memory_space<vmem>>
        %dma_start3A_212 = tpu.memref_squeeze %dma_start3A_211 : memref<1x128xi32, #tpu.memory_space<vmem>> -> memref<128xi32, #tpu.memory_space<vmem>>
        %dma_start3A_213 = arith.constant 0 : i32
        %dma_start3A_214 = arith.constant 0 : i32
        %dma_start3A_215 = tpu.memref_slice %arg20[%dma_start3A_213, %dma_start3A_214] : memref<10240x64xf32, #tpu.memory_space<vmem_shared>> -> memref<10240x64xf32, #tpu.memory_space<vmem_shared>>
        tpu.enqueue_indirect_dma source(%dma_start3A_215 : memref<10240x64xf32, #tpu.memory_space<vmem_shared>>) target(%arg9 : memref<128x64xf32, #tpu.memory_space<vmem>>) offsets(%dma_start3A_212 : memref<128xi32, #tpu.memory_space<vmem>>) semaphore(%arg13 : memref<!tpu.dma_semaphore, #tpu.memory_space<semaphore_mem>>)
        %dma_wait3A_216 = arith.constant 0 : i32
        %dma_wait3A_217 = arith.constant 0 : i32
        %dma_wait3A_218 = tpu.memref_slice %arg21[%dma_wait3A_216, %dma_wait3A_217] : memref<10240x64xf32, #tpu.memory_space<vmem_shared>> -> memref<128x64xf32, #tpu.memory_space<vmem_shared>>
        %dma_wait3A_219 = arith.constant 0 : i32
        %dma_wait3A_220 = arith.constant 0 : i32
        %dma_wait3A_221 = tpu.memref_slice %arg21[%dma_wait3A_219, %dma_wait3A_220] : memref<10240x64xf32, #tpu.memory_space<vmem_shared>> -> memref<128x64xf32, #tpu.memory_space<vmem_shared>>
        tpu.wait_dma2 semaphore(%arg18 : memref<!tpu.dma_semaphore, #tpu.memory_space<semaphore_mem>>) src(%arg10 : memref<128x64xf32, #tpu.memory_space<vmem>>) dst(%dma_wait3A_221 : memref<128x64xf32, #tpu.memory_space<vmem_shared>>)
        %add3A_222 = arith.constant 2 : i32
        %add3A_223 = arith.addi %add3A_124, %add3A_222 : i32
        %dma_start3A_224 = arith.constant 0 : i32
        %dma_start3A_225 = tpu.memref_slice %arg6[%add3A_223, %dma_start3A_224] : memref<32x128xi32, #tpu.memory_space<vmem>> -> memref<1x128xi32, #tpu.memory_space<vmem>>
        %dma_start3A_226 = tpu.memref_squeeze %dma_start3A_225 : memref<1x128xi32, #tpu.memory_space<vmem>> -> memref<128xi32, #tpu.memory_space<vmem>>
        %dma_start3A_227 = arith.constant 0 : i32
        %dma_start3A_228 = arith.constant 0 : i32
        %dma_start3A_229 = tpu.memref_slice %arg20[%dma_start3A_227, %dma_start3A_228] : memref<10240x64xf32, #tpu.memory_space<vmem_shared>> -> memref<10240x64xf32, #tpu.memory_space<vmem_shared>>
        tpu.enqueue_indirect_dma source(%dma_start3A_229 : memref<10240x64xf32, #tpu.memory_space<vmem_shared>>) target(%arg10 : memref<128x64xf32, #tpu.memory_space<vmem>>) offsets(%dma_start3A_226 : memref<128xi32, #tpu.memory_space<vmem>>) semaphore(%arg14 : memref<!tpu.dma_semaphore, #tpu.memory_space<semaphore_mem>>)
        %dma_wait3A_230 = arith.constant 0 : i32
        %dma_wait3A_231 = arith.constant 0 : i32
        %dma_wait3A_232 = tpu.memref_slice %arg21[%dma_wait3A_230, %dma_wait3A_231] : memref<10240x64xf32, #tpu.memory_space<vmem_shared>> -> memref<128x64xf32, #tpu.memory_space<vmem_shared>>
        %dma_wait3A_233 = arith.constant 0 : i32
        %dma_wait3A_234 = arith.constant 0 : i32
        %dma_wait3A_235 = tpu.memref_slice %arg21[%dma_wait3A_233, %dma_wait3A_234] : memref<10240x64xf32, #tpu.memory_space<vmem_shared>> -> memref<128x64xf32, #tpu.memory_space<vmem_shared>>
        tpu.wait_dma2 semaphore(%arg19 : memref<!tpu.dma_semaphore, #tpu.memory_space<semaphore_mem>>) src(%arg11 : memref<128x64xf32, #tpu.memory_space<vmem>>) dst(%dma_wait3A_235 : memref<128x64xf32, #tpu.memory_space<vmem_shared>>)
        %add3A_236 = arith.constant 3 : i32
        %add3A_237 = arith.addi %add3A_124, %add3A_236 : i32
        %dma_start3A_238 = arith.constant 0 : i32
        %dma_start3A_239 = tpu.memref_slice %arg6[%add3A_237, %dma_start3A_238] : memref<32x128xi32, #tpu.memory_space<vmem>> -> memref<1x128xi32, #tpu.memory_space<vmem>>
        %dma_start3A_240 = tpu.memref_squeeze %dma_start3A_239 : memref<1x128xi32, #tpu.memory_space<vmem>> -> memref<128xi32, #tpu.memory_space<vmem>>
        %dma_start3A_241 = arith.constant 0 : i32
        %dma_start3A_242 = arith.constant 0 : i32
        %dma_start3A_243 = tpu.memref_slice %arg20[%dma_start3A_241, %dma_start3A_242] : memref<10240x64xf32, #tpu.memory_space<vmem_shared>> -> memref<10240x64xf32, #tpu.memory_space<vmem_shared>>
        tpu.enqueue_indirect_dma source(%dma_start3A_243 : memref<10240x64xf32, #tpu.memory_space<vmem_shared>>) target(%arg11 : memref<128x64xf32, #tpu.memory_space<vmem>>) offsets(%dma_start3A_240 : memref<128xi32, #tpu.memory_space<vmem>>) semaphore(%arg15 : memref<!tpu.dma_semaphore, #tpu.memory_space<semaphore_mem>>)
      }
      %scan3A_44 = arith.constant 7 : i32
      %dma_wait3A = arith.constant 0 : i32
      %dma_wait3A_45 = arith.constant 0 : i32
      %dma_wait3A_46 = tpu.memref_slice %arg20[%dma_wait3A, %dma_wait3A_45] : memref<10240x64xf32, #tpu.memory_space<vmem_shared>> -> memref<128x64xf32, #tpu.memory_space<vmem_shared>>
      %dma_wait3A_47 = arith.constant 0 : i32
      %dma_wait3A_48 = arith.constant 0 : i32
      %dma_wait3A_49 = tpu.memref_slice %arg20[%dma_wait3A_47, %dma_wait3A_48] : memref<10240x64xf32, #tpu.memory_space<vmem_shared>> -> memref<128x64xf32, #tpu.memory_space<vmem_shared>>
      tpu.wait_dma2 semaphore(%arg12 : memref<!tpu.dma_semaphore, #tpu.memory_space<semaphore_mem>>) src(%dma_wait3A_49 : memref<128x64xf32, #tpu.memory_space<vmem_shared>>) dst(%arg8 : memref<128x64xf32, #tpu.memory_space<vmem>>)
      %dma_start3A_50 = arith.constant 28 : i32
      %dma_start3A_51 = arith.constant 0 : i32
      %dma_start3A_52 = tpu.memref_slice %arg7[%dma_start3A_50, %dma_start3A_51] : memref<32x128xi32, #tpu.memory_space<vmem>> -> memref<1x128xi32, #tpu.memory_space<vmem>>
      %dma_start3A_53 = tpu.memref_squeeze %dma_start3A_52 : memref<1x128xi32, #tpu.memory_space<vmem>> -> memref<128xi32, #tpu.memory_space<vmem>>
      %dma_start3A_54 = arith.constant 0 : i32
      %dma_start3A_55 = arith.constant 0 : i32
      %dma_start3A_56 = tpu.memref_slice %arg21[%dma_start3A_54, %dma_start3A_55] : memref<10240x64xf32, #tpu.memory_space<vmem_shared>> -> memref<10240x64xf32, #tpu.memory_space<vmem_shared>>
      tpu.enqueue_indirect_dma source(%arg8 : memref<128x64xf32, #tpu.memory_space<vmem>>) target(%dma_start3A_56 : memref<10240x64xf32, #tpu.memory_space<vmem_shared>>) offsets(%dma_start3A_53 : memref<128xi32, #tpu.memory_space<vmem>>) semaphore(%arg16 : memref<!tpu.dma_semaphore, #tpu.memory_space<semaphore_mem>>) {add = true}
      %dma_wait3A_57 = arith.constant 0 : i32
      %dma_wait3A_58 = arith.constant 0 : i32
      %dma_wait3A_59 = tpu.memref_slice %arg20[%dma_wait3A_57, %dma_wait3A_58] : memref<10240x64xf32, #tpu.memory_space<vmem_shared>> -> memref<128x64xf32, #tpu.memory_space<vmem_shared>>
      %dma_wait3A_60 = arith.constant 0 : i32
      %dma_wait3A_61 = arith.constant 0 : i32
      %dma_wait3A_62 = tpu.memref_slice %arg20[%dma_wait3A_60, %dma_wait3A_61] : memref<10240x64xf32, #tpu.memory_space<vmem_shared>> -> memref<128x64xf32, #tpu.memory_space<vmem_shared>>
      tpu.wait_dma2 semaphore(%arg13 : memref<!tpu.dma_semaphore, #tpu.memory_space<semaphore_mem>>) src(%dma_wait3A_62 : memref<128x64xf32, #tpu.memory_space<vmem_shared>>) dst(%arg9 : memref<128x64xf32, #tpu.memory_space<vmem>>)
      %dma_start3A_63 = arith.constant 29 : i32
      %dma_start3A_64 = arith.constant 0 : i32
      %dma_start3A_65 = tpu.memref_slice %arg7[%dma_start3A_63, %dma_start3A_64] : memref<32x128xi32, #tpu.memory_space<vmem>> -> memref<1x128xi32, #tpu.memory_space<vmem>>
      %dma_start3A_66 = tpu.memref_squeeze %dma_start3A_65 : memref<1x128xi32, #tpu.memory_space<vmem>> -> memref<128xi32, #tpu.memory_space<vmem>>
      %dma_start3A_67 = arith.constant 0 : i32
      %dma_start3A_68 = arith.constant 0 : i32
      %dma_start3A_69 = tpu.memref_slice %arg21[%dma_start3A_67, %dma_start3A_68] : memref<10240x64xf32, #tpu.memory_space<vmem_shared>> -> memref<10240x64xf32, #tpu.memory_space<vmem_shared>>
      tpu.enqueue_indirect_dma source(%arg9 : memref<128x64xf32, #tpu.memory_space<vmem>>) target(%dma_start3A_69 : memref<10240x64xf32, #tpu.memory_space<vmem_shared>>) offsets(%dma_start3A_66 : memref<128xi32, #tpu.memory_space<vmem>>) semaphore(%arg17 : memref<!tpu.dma_semaphore, #tpu.memory_space<semaphore_mem>>) {add = true}
      %dma_wait3A_70 = arith.constant 0 : i32
      %dma_wait3A_71 = arith.constant 0 : i32
      %dma_wait3A_72 = tpu.memref_slice %arg20[%dma_wait3A_70, %dma_wait3A_71] : memref<10240x64xf32, #tpu.memory_space<vmem_shared>> -> memref<128x64xf32, #tpu.memory_space<vmem_shared>>
      %dma_wait3A_73 = arith.constant 0 : i32
      %dma_wait3A_74 = arith.constant 0 : i32
      %dma_wait3A_75 = tpu.memref_slice %arg20[%dma_wait3A_73, %dma_wait3A_74] : memref<10240x64xf32, #tpu.memory_space<vmem_shared>> -> memref<128x64xf32, #tpu.memory_space<vmem_shared>>
      tpu.wait_dma2 semaphore(%arg14 : memref<!tpu.dma_semaphore, #tpu.memory_space<semaphore_mem>>) src(%dma_wait3A_75 : memref<128x64xf32, #tpu.memory_space<vmem_shared>>) dst(%arg10 : memref<128x64xf32, #tpu.memory_space<vmem>>)
      %dma_start3A_76 = arith.constant 30 : i32
      %dma_start3A_77 = arith.constant 0 : i32
      %dma_start3A_78 = tpu.memref_slice %arg7[%dma_start3A_76, %dma_start3A_77] : memref<32x128xi32, #tpu.memory_space<vmem>> -> memref<1x128xi32, #tpu.memory_space<vmem>>
      %dma_start3A_79 = tpu.memref_squeeze %dma_start3A_78 : memref<1x128xi32, #tpu.memory_space<vmem>> -> memref<128xi32, #tpu.memory_space<vmem>>
      %dma_start3A_80 = arith.constant 0 : i32
      %dma_start3A_81 = arith.constant 0 : i32
      %dma_start3A_82 = tpu.memref_slice %arg21[%dma_start3A_80, %dma_start3A_81] : memref<10240x64xf32, #tpu.memory_space<vmem_shared>> -> memref<10240x64xf32, #tpu.memory_space<vmem_shared>>
      tpu.enqueue_indirect_dma source(%arg10 : memref<128x64xf32, #tpu.memory_space<vmem>>) target(%dma_start3A_82 : memref<10240x64xf32, #tpu.memory_space<vmem_shared>>) offsets(%dma_start3A_79 : memref<128xi32, #tpu.memory_space<vmem>>) semaphore(%arg18 : memref<!tpu.dma_semaphore, #tpu.memory_space<semaphore_mem>>) {add = true}
      %dma_wait3A_83 = arith.constant 0 : i32
      %dma_wait3A_84 = arith.constant 0 : i32
      %dma_wait3A_85 = tpu.memref_slice %arg20[%dma_wait3A_83, %dma_wait3A_84] : memref<10240x64xf32, #tpu.memory_space<vmem_shared>> -> memref<128x64xf32, #tpu.memory_space<vmem_shared>>
      %dma_wait3A_86 = arith.constant 0 : i32
      %dma_wait3A_87 = arith.constant 0 : i32
      %dma_wait3A_88 = tpu.memref_slice %arg20[%dma_wait3A_86, %dma_wait3A_87] : memref<10240x64xf32, #tpu.memory_space<vmem_shared>> -> memref<128x64xf32, #tpu.memory_space<vmem_shared>>
      tpu.wait_dma2 semaphore(%arg15 : memref<!tpu.dma_semaphore, #tpu.memory_space<semaphore_mem>>) src(%dma_wait3A_88 : memref<128x64xf32, #tpu.memory_space<vmem_shared>>) dst(%arg11 : memref<128x64xf32, #tpu.memory_space<vmem>>)
      %dma_start3A_89 = arith.constant 31 : i32
      %dma_start3A_90 = arith.constant 0 : i32
      %dma_start3A_91 = tpu.memref_slice %arg7[%dma_start3A_89, %dma_start3A_90] : memref<32x128xi32, #tpu.memory_space<vmem>> -> memref<1x128xi32, #tpu.memory_space<vmem>>
      %dma_start3A_92 = tpu.memref_squeeze %dma_start3A_91 : memref<1x128xi32, #tpu.memory_space<vmem>> -> memref<128xi32, #tpu.memory_space<vmem>>
      %dma_start3A_93 = arith.constant 0 : i32
      %dma_start3A_94 = arith.constant 0 : i32
      %dma_start3A_95 = tpu.memref_slice %arg21[%dma_start3A_93, %dma_start3A_94] : memref<10240x64xf32, #tpu.memory_space<vmem_shared>> -> memref<10240x64xf32, #tpu.memory_space<vmem_shared>>
      tpu.enqueue_indirect_dma source(%arg11 : memref<128x64xf32, #tpu.memory_space<vmem>>) target(%dma_start3A_95 : memref<10240x64xf32, #tpu.memory_space<vmem_shared>>) offsets(%dma_start3A_92 : memref<128xi32, #tpu.memory_space<vmem>>) semaphore(%arg19 : memref<!tpu.dma_semaphore, #tpu.memory_space<semaphore_mem>>) {add = true}
      %dma_wait3A_96 = arith.constant 0 : i32
      %dma_wait3A_97 = arith.constant 0 : i32
      %dma_wait3A_98 = tpu.memref_slice %arg21[%dma_wait3A_96, %dma_wait3A_97] : memref<10240x64xf32, #tpu.memory_space<vmem_shared>> -> memref<128x64xf32, #tpu.memory_space<vmem_shared>>
      %dma_wait3A_99 = arith.constant 0 : i32
      %dma_wait3A_100 = arith.constant 0 : i32
      %dma_wait3A_101 = tpu.memref_slice %arg21[%dma_wait3A_99, %dma_wait3A_100] : memref<10240x64xf32, #tpu.memory_space<vmem_shared>> -> memref<128x64xf32, #tpu.memory_space<vmem_shared>>
      tpu.wait_dma2 semaphore(%arg16 : memref<!tpu.dma_semaphore, #tpu.memory_space<semaphore_mem>>) src(%arg8 : memref<128x64xf32, #tpu.memory_space<vmem>>) dst(%dma_wait3A_101 : memref<128x64xf32, #tpu.memory_space<vmem_shared>>)
      %dma_wait3A_102 = arith.constant 0 : i32
      %dma_wait3A_103 = arith.constant 0 : i32
      %dma_wait3A_104 = tpu.memref_slice %arg21[%dma_wait3A_102, %dma_wait3A_103] : memref<10240x64xf32, #tpu.memory_space<vmem_shared>> -> memref<128x64xf32, #tpu.memory_space<vmem_shared>>
      %dma_wait3A_105 = arith.constant 0 : i32
      %dma_wait3A_106 = arith.constant 0 : i32
      %dma_wait3A_107 = tpu.memref_slice %arg21[%dma_wait3A_105, %dma_wait3A_106] : memref<10240x64xf32, #tpu.memory_space<vmem_shared>> -> memref<128x64xf32, #tpu.memory_space<vmem_shared>>
      tpu.wait_dma2 semaphore(%arg17 : memref<!tpu.dma_semaphore, #tpu.memory_space<semaphore_mem>>) src(%arg9 : memref<128x64xf32, #tpu.memory_space<vmem>>) dst(%dma_wait3A_107 : memref<128x64xf32, #tpu.memory_space<vmem_shared>>)
      %dma_wait3A_108 = arith.constant 0 : i32
      %dma_wait3A_109 = arith.constant 0 : i32
      %dma_wait3A_110 = tpu.memref_slice %arg21[%dma_wait3A_108, %dma_wait3A_109] : memref<10240x64xf32, #tpu.memory_space<vmem_shared>> -> memref<128x64xf32, #tpu.memory_space<vmem_shared>>
      %dma_wait3A_111 = arith.constant 0 : i32
      %dma_wait3A_112 = arith.constant 0 : i32
      %dma_wait3A_113 = tpu.memref_slice %arg21[%dma_wait3A_111, %dma_wait3A_112] : memref<10240x64xf32, #tpu.memory_space<vmem_shared>> -> memref<128x64xf32, #tpu.memory_space<vmem_shared>>
      tpu.wait_dma2 semaphore(%arg18 : memref<!tpu.dma_semaphore, #tpu.memory_space<semaphore_mem>>) src(%arg10 : memref<128x64xf32, #tpu.memory_space<vmem>>) dst(%dma_wait3A_113 : memref<128x64xf32, #tpu.memory_space<vmem_shared>>)
      %dma_wait3A_114 = arith.constant 0 : i32
      %dma_wait3A_115 = arith.constant 0 : i32
      %dma_wait3A_116 = tpu.memref_slice %arg21[%dma_wait3A_114, %dma_wait3A_115] : memref<10240x64xf32, #tpu.memory_space<vmem_shared>> -> memref<128x64xf32, #tpu.memory_space<vmem_shared>>
      %dma_wait3A_117 = arith.constant 0 : i32
      %dma_wait3A_118 = arith.constant 0 : i32
      %dma_wait3A_119 = tpu.memref_slice %arg21[%dma_wait3A_117, %dma_wait3A_118] : memref<10240x64xf32, #tpu.memory_space<vmem_shared>> -> memref<128x64xf32, #tpu.memory_space<vmem_shared>>
      tpu.wait_dma2 semaphore(%arg19 : memref<!tpu.dma_semaphore, #tpu.memory_space<semaphore_mem>>) src(%arg11 : memref<128x64xf32, #tpu.memory_space<vmem>>) dst(%dma_wait3A_119 : memref<128x64xf32, #tpu.memory_space<vmem_shared>>)
    }
    %scan3A_7 = arith.constant 5 : i32
    %barrier3A_8 = arith.constant 0 : index
    tpu.barrier barrier_id(%barrier3A_8)
    "tpu.region"() ({
      %run_scoped3A = tpu.sem_alloc : memref<!tpu.dma_semaphore, #tpu.memory_space<semaphore_mem>>
      %dma_start3A = arith.constant 0 : i32
      %dma_start3A_9 = tpu.memref_slice %arg5[%arg0, %mul3A_0, %dma_start3A] : memref<2x10240x64xf32, #tpu.memory_space<hbm>> -> memref<1x640x64xf32, #tpu.memory_space<hbm>>
      %dma_start3A_10 = tpu.memref_squeeze %dma_start3A_9 : memref<1x640x64xf32, #tpu.memory_space<hbm>> -> memref<640x64xf32, #tpu.memory_space<hbm>>
      %dma_start3A_11 = arith.constant 0 : i32
      %dma_start3A_12 = tpu.memref_slice %arg21[%mul3A_0, %dma_start3A_11] : memref<10240x64xf32, #tpu.memory_space<vmem_shared>> -> memref<640x64xf32, #tpu.memory_space<vmem_shared>>
      tpu.enqueue_dma source(%dma_start3A_12 : memref<640x64xf32, #tpu.memory_space<vmem_shared>>) target(%dma_start3A_10 : memref<640x64xf32, #tpu.memory_space<hbm>>) target_semaphore(%run_scoped3A : memref<!tpu.dma_semaphore, #tpu.memory_space<semaphore_mem>>)
      %dma_wait3A = arith.constant 0 : i32
      %dma_wait3A_13 = tpu.memref_slice %arg5[%arg0, %mul3A_0, %dma_wait3A] : memref<2x10240x64xf32, #tpu.memory_space<hbm>> -> memref<1x640x64xf32, #tpu.memory_space<hbm>>
      %dma_wait3A_14 = tpu.memref_squeeze %dma_wait3A_13 : memref<1x640x64xf32, #tpu.memory_space<hbm>> -> memref<640x64xf32, #tpu.memory_space<hbm>>
      %dma_wait3A_15 = arith.constant 0 : i32
      %dma_wait3A_16 = tpu.memref_slice %arg21[%mul3A_0, %dma_wait3A_15] : memref<10240x64xf32, #tpu.memory_space<vmem_shared>> -> memref<640x64xf32, #tpu.memory_space<vmem_shared>>
      tpu.wait_dma2 semaphore(%run_scoped3A : memref<!tpu.dma_semaphore, #tpu.memory_space<semaphore_mem>>) src(%dma_wait3A_16 : memref<640x64xf32, #tpu.memory_space<vmem_shared>>) dst(%dma_wait3A_14 : memref<640x64xf32, #tpu.memory_space<hbm>>)
      tpu.yield
    }) : () -> ()
    return
  }
}

module attributes {stable_mosaic.version = 14 : i64} {
  func.func @_k2_body(%arg0: i32, %arg1: memref<2x1280xf32, #tpu.memory_space<vmem>>, %arg2: memref<1280x128xf32, #tpu.memory_space<vmem>>, %arg3: memref<128x128xf32, #tpu.memory_space<vmem>>, %arg4: memref<2x1280x64xf32, #tpu.memory_space<vmem>>, %arg5: memref<1280x1xf32, #tpu.memory_space<vmem>>) attributes {dimension_semantics = [#tpu.dimension_semantics<arbitrary>], iteration_bounds = array<i64: 8>, scalar_prefetch = 0 : i64, scratch_operands = 0 : i64, tpu.core_type = #tpu.core_type<tc>, window_params = [{transform_indices = @transform_0, window_bounds = array<i64: 2, 1280>}, {transform_indices = @transform_1, window_bounds = array<i64: 1280, 128>}, {pipeline_mode = #tpu.pipeline_mode<synchronous>, transform_indices = @transform_2, window_bounds = array<i64: 128, 128>}, {transform_indices = @transform_3, window_bounds = array<i64: 2, 1280, 64>}, {transform_indices = @transform_4, window_bounds = array<i64: 1280, 1>}]} {
    %get3A = arith.constant 0 : index
    %get3A_0 = arith.constant 0 : index
    %get3A_1 = vector.load %arg1[%get3A, %get3A_0] : memref<2x1280xf32, #tpu.memory_space<vmem>>, vector<2x1280xf32>
    %slice3A = vector.extract_strided_slice %get3A_1 {offsets = [0, 0], sizes = [1, 1280], strides = [1, 1]} : vector<2x1280xf32> to vector<1x1280xf32>
    %squeeze3A = vector.shape_cast %slice3A : vector<1x1280xf32> to vector<1280xf32>
    %slice3A_2 = vector.extract_strided_slice %get3A_1 {offsets = [1, 0], sizes = [1, 1280], strides = [1, 1]} : vector<2x1280xf32> to vector<1x1280xf32>
    %squeeze3A_3 = vector.shape_cast %slice3A_2 : vector<1x1280xf32> to vector<1280xf32>
    %add3A = arith.addf %squeeze3A, %squeeze3A_3 : vector<1280xf32>
    %add3A_4 = arith.constant 1.000000e+00 : f32
    %add3A_5 = vector.broadcast %add3A_4 : f32 to vector<1280xf32>
    %add3A_6 = arith.addf %add3A, %add3A_5 : vector<1280xf32>
    %rsqrt3A = math.rsqrt %add3A_6 : vector<1280xf32>
    %broadcast_in_dim3A = vector.shape_cast %rsqrt3A : vector<1280xf32> to vector<1280x1xf32>
    %get3A_7 = arith.constant 0 : index
    %get3A_8 = arith.constant 0 : index
    %get3A_9 = vector.load %arg2[%get3A_7, %get3A_8] : memref<1280x128xf32, #tpu.memory_space<vmem>>, vector<1280x128xf32>
    %get3A_10 = arith.constant 0 : index
    %get3A_11 = arith.constant 0 : index
    %get3A_12 = vector.load %arg3[%get3A_10, %get3A_11] : memref<128x128xf32, #tpu.memory_space<vmem>>, vector<128x128xf32>
    %dot_general3A = arith.constant dense<0.000000e+00> : vector<1280x128xf32>
    %dot_general3A_13 = tpu.matmul %get3A_9, %get3A_12, %dot_general3A {dimension_numbers = #tpu.dot_dimension_numbers<[1], [0], [0], [1], [0, 0, 1, 1], [], []>, transpose_lhs_hint = false} : vector<1280x128xf32>, vector<128x128xf32>, vector<1280x128xf32> -> vector<1280x128xf32>
    %mul3A = vector.broadcast %broadcast_in_dim3A : vector<1280x1xf32> to vector<1280x128xf32>
    %mul3A_14 = arith.mulf %dot_general3A_13, %mul3A : vector<1280x128xf32>
    %slice3A_15 = vector.extract_strided_slice %mul3A_14 {offsets = [0, 0], sizes = [1280, 64], strides = [1, 1]} : vector<1280x128xf32> to vector<1280x64xf32>
    %swap3A = arith.constant 0 : index
    %swap3A_16 = arith.constant 0 : index
    %swap3A_17 = arith.constant 0 : index
    %swap3A_18 = vector.load %arg4[%swap3A, %swap3A_16, %swap3A_17] : memref<2x1280x64xf32, #tpu.memory_space<vmem>>, vector<1x1280x64xf32>
    %swap3A_19 = vector.shape_cast %swap3A_18 : vector<1x1280x64xf32> to vector<1280x64xf32>
    %swap3A_20 = vector.shape_cast %slice3A_15 : vector<1280x64xf32> to vector<1x1280x64xf32>
    tpu.vector_store %arg4[%swap3A, %swap3A_16, %swap3A_17], %swap3A_20 {strides = array<i32>} : memref<2x1280x64xf32, #tpu.memory_space<vmem>>, vector<1x1280x64xf32>,
    %slice3A_21 = vector.extract_strided_slice %mul3A_14 {offsets = [0, 64], sizes = [1280, 64], strides = [1, 1]} : vector<1280x128xf32> to vector<1280x64xf32>
    %swap3A_22 = arith.constant 1 : index
    %swap3A_23 = arith.constant 0 : index
    %swap3A_24 = arith.constant 0 : index
    %swap3A_25 = vector.load %arg4[%swap3A_22, %swap3A_23, %swap3A_24] : memref<2x1280x64xf32, #tpu.memory_space<vmem>>, vector<1x1280x64xf32>
    %swap3A_26 = vector.shape_cast %swap3A_25 : vector<1x1280x64xf32> to vector<1280x64xf32>
    %swap3A_27 = vector.shape_cast %slice3A_21 : vector<1280x64xf32> to vector<1x1280x64xf32>
    tpu.vector_store %arg4[%swap3A_22, %swap3A_23, %swap3A_24], %swap3A_27 {strides = array<i32>} : memref<2x1280x64xf32, #tpu.memory_space<vmem>>, vector<1x1280x64xf32>,
    %swap3A_28 = arith.constant 0 : index
    %swap3A_29 = arith.constant 0 : index
    %swap3A_30 = vector.load %arg5[%swap3A_28, %swap3A_29] : memref<1280x1xf32, #tpu.memory_space<vmem>>, vector<1280x1xf32>
    tpu.vector_store %arg5[%swap3A_28, %swap3A_29], %broadcast_in_dim3A {strides = array<i32>} : memref<1280x1xf32, #tpu.memory_space<vmem>>, vector<1280x1xf32>,
    return
  }
  func.func @transform_0(%arg0: i32) -> (i32, i32) {
    %c0_i32 = arith.constant 0 : i32
    %c0_i32_0 = arith.constant 0 : i32
    return %c0_i32, %arg0 : i32, i32
  }
  func.func @transform_1(%arg0: i32) -> (i32, i32) {
    %c0_i32 = arith.constant 0 : i32
    %c0_i32_0 = arith.constant 0 : i32
    return %arg0, %c0_i32 : i32, i32
  }
  func.func @transform_2(%arg0: i32) -> (i32, i32) {
    %c0_i32 = arith.constant 0 : i32
    %c0_i32_0 = arith.constant 0 : i32
    %c0_i32_1 = arith.constant 0 : i32
    return %c0_i32, %c0_i32_0 : i32, i32
  }
  func.func @transform_3(%arg0: i32) -> (i32, i32, i32) {
    %c0_i32 = arith.constant 0 : i32
    %c0_i32_0 = arith.constant 0 : i32
    %c0_i32_1 = arith.constant 0 : i32
    return %c0_i32, %arg0, %c0_i32_0 : i32, i32, i32
  }
  func.func @transform_4(%arg0: i32) -> (i32, i32) {
    %c0_i32 = arith.constant 0 : i32
    %c0_i32_0 = arith.constant 0 : i32
    return %arg0, %c0_i32 : i32, i32
  }
}

module attributes {stable_mosaic.version = 14 : i64} {
  func.func @_k4_body(%arg0: i32, %arg1: memref<2x1280x64xf32, #tpu.memory_space<vmem>>, %arg2: memref<1280x1xf32, #tpu.memory_space<vmem>>, %arg3: memref<1x128xf32, #tpu.memory_space<vmem>>, %arg4: memref<128x64xf32, #tpu.memory_space<vmem>>, %arg5: memref<2x1280x32xf32, #tpu.memory_space<vmem>>) attributes {dimension_semantics = [#tpu.dimension_semantics<arbitrary>], iteration_bounds = array<i64: 8>, scalar_prefetch = 0 : i64, scratch_operands = 0 : i64, tpu.core_type = #tpu.core_type<tc>, window_params = [{transform_indices = @transform_0, window_bounds = array<i64: 2, 1280, 64>}, {transform_indices = @transform_1, window_bounds = array<i64: 1280, 1>}, {pipeline_mode = #tpu.pipeline_mode<synchronous>, transform_indices = @transform_2, window_bounds = array<i64: 1, 128>}, {pipeline_mode = #tpu.pipeline_mode<synchronous>, transform_indices = @transform_3, window_bounds = array<i64: 128, 64>}, {transform_indices = @transform_4, window_bounds = array<i64: 2, 1280, 32>}]} {
    %get3A = arith.constant 0 : index
    %get3A_0 = arith.constant 0 : index
    %get3A_1 = arith.constant 0 : index
    %get3A_2 = vector.load %arg1[%get3A, %get3A_0, %get3A_1] : memref<2x1280x64xf32, #tpu.memory_space<vmem>>, vector<2x1280x64xf32>
    %slice3A = vector.extract_strided_slice %get3A_2 {offsets = [0, 0, 0], sizes = [1, 1280, 64], strides = [1, 1, 1]} : vector<2x1280x64xf32> to vector<1x1280x64xf32>
    %squeeze3A = vector.shape_cast %slice3A : vector<1x1280x64xf32> to vector<1280x64xf32>
    %slice3A_3 = vector.extract_strided_slice %get3A_2 {offsets = [1, 0, 0], sizes = [1, 1280, 64], strides = [1, 1, 1]} : vector<2x1280x64xf32> to vector<1x1280x64xf32>
    %squeeze3A_4 = vector.shape_cast %slice3A_3 : vector<1x1280x64xf32> to vector<1280x64xf32>
    %concatenate3A = tpu.concatenate %squeeze3A, %squeeze3A_4 in 1 : vector<1280x64xf32>, vector<1280x64xf32> -> vector<1280x128xf32>
    %get3A_5 = arith.constant 0 : index
    %get3A_6 = arith.constant 0 : index
    %get3A_7 = vector.load %arg2[%get3A_5, %get3A_6] : memref<1280x1xf32, #tpu.memory_space<vmem>>, vector<1280x1xf32>
    %mul3A = vector.broadcast %get3A_7 : vector<1280x1xf32> to vector<1280x128xf32>
    %mul3A_8 = arith.mulf %concatenate3A, %mul3A : vector<1280x128xf32>
    %get3A_9 = arith.constant 0 : index
    %get3A_10 = arith.constant 0 : index
    %get3A_11 = vector.load %arg3[%get3A_9, %get3A_10] : memref<1x128xf32, #tpu.memory_space<vmem>>, vector<1x128xf32>
    %add3A = vector.broadcast %get3A_11 : vector<1x128xf32> to vector<1280x128xf32>
    %add3A_12 = arith.addf %mul3A_8, %add3A : vector<1280x128xf32>
    %max3A = arith.constant 0.000000e+00 : f32
    %max3A_13 = vector.broadcast %max3A : f32 to vector<1280x128xf32>
    %max3A_14 = arith.maximumf %add3A_12, %max3A_13 : vector<1280x128xf32>
    %get3A_15 = arith.constant 0 : index
    %get3A_16 = arith.constant 0 : index
    %get3A_17 = vector.load %arg4[%get3A_15, %get3A_16] : memref<128x64xf32, #tpu.memory_space<vmem>>, vector<128x64xf32>
    %dot_general3A = arith.constant dense<0.000000e+00> : vector<1280x64xf32>
    %dot_general3A_18 = tpu.matmul %max3A_14, %get3A_17, %dot_general3A {dimension_numbers = #tpu.dot_dimension_numbers<[1], [0], [0], [1], [0, 0, 1, 1], [], []>, transpose_lhs_hint = false} : vector<1280x128xf32>, vector<128x64xf32>, vector<1280x64xf32> -> vector<1280x64xf32>
    %mul3A_19 = vector.broadcast %get3A_7 : vector<1280x1xf32> to vector<1280x64xf32>
    %mul3A_20 = arith.mulf %dot_general3A_18, %mul3A_19 : vector<1280x64xf32>
    %slice3A_21 = vector.extract_strided_slice %mul3A_20 {offsets = [0, 0], sizes = [1280, 32], strides = [1, 1]} : vector<1280x64xf32> to vector<1280x32xf32>
    %swap3A = arith.constant 0 : index
    %swap3A_22 = arith.constant 0 : index
    %swap3A_23 = arith.constant 0 : index
    %swap3A_24 = vector.load %arg5[%swap3A, %swap3A_22, %swap3A_23] : memref<2x1280x32xf32, #tpu.memory_space<vmem>>, vector<1x1280x32xf32>
    %swap3A_25 = vector.shape_cast %swap3A_24 : vector<1x1280x32xf32> to vector<1280x32xf32>
    %swap3A_26 = vector.shape_cast %slice3A_21 : vector<1280x32xf32> to vector<1x1280x32xf32>
    tpu.vector_store %arg5[%swap3A, %swap3A_22, %swap3A_23], %swap3A_26 {strides = array<i32>} : memref<2x1280x32xf32, #tpu.memory_space<vmem>>, vector<1x1280x32xf32>,
    %slice3A_27 = vector.extract_strided_slice %mul3A_20 {offsets = [0, 32], sizes = [1280, 32], strides = [1, 1]} : vector<1280x64xf32> to vector<1280x32xf32>
    %swap3A_28 = arith.constant 1 : index
    %swap3A_29 = arith.constant 0 : index
    %swap3A_30 = arith.constant 0 : index
    %swap3A_31 = vector.load %arg5[%swap3A_28, %swap3A_29, %swap3A_30] : memref<2x1280x32xf32, #tpu.memory_space<vmem>>, vector<1x1280x32xf32>
    %swap3A_32 = vector.shape_cast %swap3A_31 : vector<1x1280x32xf32> to vector<1280x32xf32>
    %swap3A_33 = vector.shape_cast %slice3A_27 : vector<1280x32xf32> to vector<1x1280x32xf32>
    tpu.vector_store %arg5[%swap3A_28, %swap3A_29, %swap3A_30], %swap3A_33 {strides = array<i32>} : memref<2x1280x32xf32, #tpu.memory_space<vmem>>, vector<1x1280x32xf32>,
    return
  }
  func.func @transform_0(%arg0: i32) -> (i32, i32, i32) {
    %c0_i32 = arith.constant 0 : i32
    %c0_i32_0 = arith.constant 0 : i32
    %c0_i32_1 = arith.constant 0 : i32
    return %c0_i32, %arg0, %c0_i32_0 : i32, i32, i32
  }
  func.func @transform_1(%arg0: i32) -> (i32, i32) {
    %c0_i32 = arith.constant 0 : i32
    %c0_i32_0 = arith.constant 0 : i32
    return %arg0, %c0_i32 : i32, i32
  }
  func.func @transform_2(%arg0: i32) -> (i32, i32) {
    %c0_i32 = arith.constant 0 : i32
    %c0_i32_0 = arith.constant 0 : i32
    %c0_i32_1 = arith.constant 0 : i32
    return %c0_i32, %c0_i32_0 : i32, i32
  }
  func.func @transform_3(%arg0: i32) -> (i32, i32) {
    %c0_i32 = arith.constant 0 : i32
    %c0_i32_0 = arith.constant 0 : i32
    %c0_i32_1 = arith.constant 0 : i32
    return %c0_i32, %c0_i32_0 : i32, i32
  }
  func.func @transform_4(%arg0: i32) -> (i32, i32, i32) {
    %c0_i32 = arith.constant 0 : i32
    %c0_i32_0 = arith.constant 0 : i32
    %c0_i32_1 = arith.constant 0 : i32
    return %c0_i32, %arg0, %c0_i32_0 : i32, i32, i32
  }
}

module attributes {stable_mosaic.version = 14 : i64} {
  func.func @_k6_body(%arg0: i32, %arg1: memref<2x1280x32xf32, #tpu.memory_space<vmem>>, %arg2: memref<1280x1xf32, #tpu.memory_space<vmem>>, %arg3: memref<1x64xf32, #tpu.memory_space<vmem>>, %arg4: memref<1280x64xf32, #tpu.memory_space<vmem>>) attributes {dimension_semantics = [#tpu.dimension_semantics<arbitrary>], iteration_bounds = array<i64: 8>, scalar_prefetch = 0 : i64, scratch_operands = 0 : i64, tpu.core_type = #tpu.core_type<tc>, window_params = [{transform_indices = @transform_0, window_bounds = array<i64: 2, 1280, 32>}, {transform_indices = @transform_1, window_bounds = array<i64: 1280, 1>}, {pipeline_mode = #tpu.pipeline_mode<synchronous>, transform_indices = @transform_2, window_bounds = array<i64: 1, 64>}, {transform_indices = @transform_3, window_bounds = array<i64: 1280, 64>}]} {
    %get3A = arith.constant 0 : index
    %get3A_0 = arith.constant 0 : index
    %get3A_1 = arith.constant 0 : index
    %get3A_2 = vector.load %arg1[%get3A, %get3A_0, %get3A_1] : memref<2x1280x32xf32, #tpu.memory_space<vmem>>, vector<2x1280x32xf32>
    %slice3A = vector.extract_strided_slice %get3A_2 {offsets = [0, 0, 0], sizes = [1, 1280, 32], strides = [1, 1, 1]} : vector<2x1280x32xf32> to vector<1x1280x32xf32>
    %squeeze3A = vector.shape_cast %slice3A : vector<1x1280x32xf32> to vector<1280x32xf32>
    %slice3A_3 = vector.extract_strided_slice %get3A_2 {offsets = [1, 0, 0], sizes = [1, 1280, 32], strides = [1, 1, 1]} : vector<2x1280x32xf32> to vector<1x1280x32xf32>
    %squeeze3A_4 = vector.shape_cast %slice3A_3 : vector<1x1280x32xf32> to vector<1280x32xf32>
    %concatenate3A = tpu.concatenate %squeeze3A, %squeeze3A_4 in 1 : vector<1280x32xf32>, vector<1280x32xf32> -> vector<1280x64xf32>
    %get3A_5 = arith.constant 0 : index
    %get3A_6 = arith.constant 0 : index
    %get3A_7 = vector.load %arg2[%get3A_5, %get3A_6] : memref<1280x1xf32, #tpu.memory_space<vmem>>, vector<1280x1xf32>
    %mul3A = vector.broadcast %get3A_7 : vector<1280x1xf32> to vector<1280x64xf32>
    %mul3A_8 = arith.mulf %concatenate3A, %mul3A : vector<1280x64xf32>
    %get3A_9 = arith.constant 0 : index
    %get3A_10 = arith.constant 0 : index
    %get3A_11 = vector.load %arg3[%get3A_9, %get3A_10] : memref<1x64xf32, #tpu.memory_space<vmem>>, vector<1x64xf32>
    %add3A = vector.broadcast %get3A_11 : vector<1x64xf32> to vector<1280x64xf32>
    %add3A_12 = arith.addf %mul3A_8, %add3A : vector<1280x64xf32>
    %max3A = arith.constant 0.000000e+00 : f32
    %max3A_13 = vector.broadcast %max3A : f32 to vector<1280x64xf32>
    %max3A_14 = arith.maximumf %add3A_12, %max3A_13 : vector<1280x64xf32>
    %swap3A = arith.constant 0 : index
    %swap3A_15 = arith.constant 0 : index
    %swap3A_16 = vector.load %arg4[%swap3A, %swap3A_15] : memref<1280x64xf32, #tpu.memory_space<vmem>>, vector<1280x64xf32>
    tpu.vector_store %arg4[%swap3A, %swap3A_15], %max3A_14 {strides = array<i32>} : memref<1280x64xf32, #tpu.memory_space<vmem>>, vector<1280x64xf32>,
    return
  }
  func.func @transform_0(%arg0: i32) -> (i32, i32, i32) {
    %c0_i32 = arith.constant 0 : i32
    %c0_i32_0 = arith.constant 0 : i32
    %c0_i32_1 = arith.constant 0 : i32
    return %c0_i32, %arg0, %c0_i32_0 : i32, i32, i32
  }
  func.func @transform_1(%arg0: i32) -> (i32, i32) {
    %c0_i32 = arith.constant 0 : i32
    %c0_i32_0 = arith.constant 0 : i32
    return %arg0, %c0_i32 : i32, i32
  }
  func.func @transform_2(%arg0: i32) -> (i32, i32) {
    %c0_i32 = arith.constant 0 : i32
    %c0_i32_0 = arith.constant 0 : i32
    %c0_i32_1 = arith.constant 0 : i32
    return %c0_i32, %c0_i32_0 : i32, i32
  }
  func.func @transform_3(%arg0: i32) -> (i32, i32) {
    %c0_i32 = arith.constant 0 : i32
    %c0_i32_0 = arith.constant 0 : i32
    return %arg0, %c0_i32 : i32, i32
  }
}

module attributes {stable_mosaic.version = 14 : i64} {
  func.func @_head_body(%arg0: memref<100x6400xf32, #tpu.memory_space<vmem>>, %arg1: memref<6400x10xf32, #tpu.memory_space<vmem>>, %arg2: memref<1x10xf32, #tpu.memory_space<vmem>>, %arg3: memref<100x10xf32, #tpu.memory_space<vmem>>) attributes {dimension_semantics = [], scalar_prefetch = 0 : i64, scratch_operands = 0 : i64, tpu.core_type = #tpu.core_type<tc>} {
    %get3A = arith.constant 0 : index
    %get3A_0 = arith.constant 0 : index
    %get3A_1 = vector.load %arg0[%get3A, %get3A_0] : memref<100x6400xf32, #tpu.memory_space<vmem>>, vector<100x6400xf32>
    %get3A_2 = arith.constant 0 : index
    %get3A_3 = arith.constant 0 : index
    %get3A_4 = vector.load %arg1[%get3A_2, %get3A_3] : memref<6400x10xf32, #tpu.memory_space<vmem>>, vector<6400x10xf32>
    %dot_general3A = arith.constant dense<0.000000e+00> : vector<100x10xf32>
    %dot_general3A_5 = tpu.matmul %get3A_1, %get3A_4, %dot_general3A {dimension_numbers = #tpu.dot_dimension_numbers<[1], [0], [0], [1], [0, 0, 1, 1], [], []>, transpose_lhs_hint = false} : vector<100x6400xf32>, vector<6400x10xf32>, vector<100x10xf32> -> vector<100x10xf32>
    %get3A_6 = arith.constant 0 : index
    %get3A_7 = arith.constant 0 : index
    %get3A_8 = vector.load %arg2[%get3A_6, %get3A_7] : memref<1x10xf32, #tpu.memory_space<vmem>>, vector<1x10xf32>
    %add3A = vector.broadcast %get3A_8 : vector<1x10xf32> to vector<100x10xf32>
    %add3A_9 = arith.addf %dot_general3A_5, %add3A : vector<100x10xf32>
    %reduce_max3A = arith.constant dense<0xFF800000> : vector<100xf32>
    %reduce_max3A_10 = vector.multi_reduction <maximumf>, %add3A_9, %reduce_max3A [1] : vector<100x10xf32> to vector<100xf32>
    %broadcast_in_dim3A = vector.shape_cast %reduce_max3A_10 : vector<100xf32> to vector<100x1xf32>
    %sub3A = vector.broadcast %broadcast_in_dim3A : vector<100x1xf32> to vector<100x10xf32>
    %sub3A_11 = arith.subf %add3A_9, %sub3A : vector<100x10xf32>
    %exp3A = math.exp %sub3A_11 : vector<100x10xf32>
    %reduce_sum3A = arith.constant dense<0.000000e+00> : vector<100xf32>
    %reduce_sum3A_12 = vector.multi_reduction <add>, %exp3A, %reduce_sum3A [1] : vector<100x10xf32> to vector<100xf32>
    %broadcast_in_dim3A_13 = vector.shape_cast %reduce_sum3A_12 : vector<100xf32> to vector<100x1xf32>
    %log3A = math.log %broadcast_in_dim3A_13 : vector<100x1xf32>
    %add3A_14 = arith.addf %log3A, %broadcast_in_dim3A : vector<100x1xf32>
    %sub3A_15 = vector.broadcast %add3A_14 : vector<100x1xf32> to vector<100x10xf32>
    %sub3A_16 = arith.subf %add3A_9, %sub3A_15 : vector<100x10xf32>
    %swap3A = arith.constant 0 : index
    %swap3A_17 = arith.constant 0 : index
    %swap3A_18 = vector.load %arg3[%swap3A, %swap3A_17] : memref<100x10xf32, #tpu.memory_space<vmem>>, vector<100x10xf32>
    tpu.vector_store %arg3[%swap3A, %swap3A_17], %sub3A_16 {strides = array<i32>} : memref<100x10xf32, #tpu.memory_space<vmem>>, vector<100x10xf32>,
    return
  }
}

</mosaic_0001>

<sc_bundles>
// kernel: kernel.12.cloned.1.call-start
scs
__scs_entry_jumppad:
0x0: {  	(pc) =	sbr.rel $0x88, $3  }
0x1: {  	(tag) =	ssettag $0x0;
	lr =	simm.s32 $0x1  }
0x2: {  	[smem:$0x3F99] =	sst lr;
	_ =	strace $0xD0000000  }
0x3: {  	_ = 	snop  }
0x4: {  	_ = 	snop  }
0x5: {  	_ = 	snop  }
0x6: {  	_ = 	snop  }
0x7: {  	_ = 	snop  }
__scs_overlays_trampoline_lowered:
0x8: {  	[smem:$0x3FA8] =	sst s0  }
0x9: {  	[smem:$0x3FA9] =	sst s1  }
0xa: {  	[smem:$0x3FAA] =	sst s2  }
0xb: {  	[smem:$0x3FAB] =	sst s3  }
0xc: {  	[smem:$0x3FAC] =	sst s4  }
0xd: {  	[smem:$0x3FAD] =	sst s5  }
0xe: {  	[smem:$0x3FAE] =	sst s6  }
0xf: {  	[smem:$0x3FAF] =	sst s7  }
0x10: {  	[smem:$0x3FB0] =	sst s8  }
0x11: {  	[smem:$0x3FB1] =	sst s9;
	s0 =	simm.s32 @!p0 $0x0  }
0x12: {  	s1 =	sld [smem:$0x3F97];
	s0 =	simm.s32 @p0 $0x1  }
0x13: {  	[smem:$0x3FB2] =	sst s0;
	s0 =	simm.s32 @!p1 $0x0  }
0x14: {  	s2 =	sld [smem:$0x3F96];
	s0 =	simm.s32 @p1 $0x1  }
0x15: {  	[smem:$0x3FB3] =	sst s0;
	s0 =	simm.s32 @!p2 $0x0  }
0x16: {  	s3 =	sld [smem:$0x3FDB];
	s0 =	simm.s32 @p2 $0x1  }
0x17: {  	s4 =	simm.s32 $0x1BF5;
	[smem:$0x3FB5] =	sst s0  }
0x18: {  	s0 =	sld [smem:$0x3F98];
	_ =	swait.ge [sflag:s4], $0x0  }
0x19: {  	s7 =	sld [smem:$0x3F99]  }
0x1a: {  	s8 =	sadd.s32 $0xFFFFE003, lr  }
0x1b: {  	s9 =	sadd.s32 $0xFFFFFEF7, lr;
	s5 =	simm.s32 $0xFFFFFFFF;
	p2 =	slt.u32 s8, $0xFFFFF086  }
0x1c: {  	p1 =	slt.u32 s9, $0xF7A;
	s5 =	simm.s32 @!p2 $0x0  }
0x1d: {  	s5 =	simm.s32 @p1 $0x1;
	p0 =	seq.s32 s7, s2  }
0x1e: {  	s7 =	smul.u32 @!p0 $0xF7A, s2;
	p2 =	seq.s32 @!p0 s5, $0x0  }
0x1f: {  	s9 =	smul.u32 $0xF7A, s1;
	s8 =	simm.s32 @!p0 $0x1BF5;
	p2 =	por !p2, p0  }
0x20: {  	[sflag:s8] =	ssyncset.s32 @!p0 $0xFFFFF086;
	s6 =	sadd.s32 @!p0 s3, s7;
	s7 =	simm.s32 @!p0 $0x108  }
0x21: {  	s3 =	sadd.s32 s3, s9;
	s6 =	sadd.s32 @!p0 $0x88, s6;
	s7 =	simm.s32 @p2 $0x1082  }
0x22: {  	[simem:s7], [sflag:s8] =	dma.local @!p0 [hbm:s6], $0xF7A  }
0x23: {  	s9 =	sor.u32 $0xD0000000, s2;
	s6 =	simm.s32 $0x108;
	_ =	swait.ge @!p0 [sflag:s8], $0x0  }
0x24: {  	s3 =	sadd.s32 $0x88, s3;
	s6 =	simm.s32 @!p1 $0x1082;
	[sflag:s4] =	ssyncset.s32 $0xFFFFF086  }
0x25: {  	[simem:s6], [sflag:s4] =	dma.local [hbm:s3], $0xF7A  }
0x26: {  	[smem:$0x3F99] =	sst s1;
	(tag) =	ssettag s2;
	_ =	strace s9  }
0x27: {  	s1 =	sld [smem:$0x3FA9]  }
0x28: {  	s2 =	sld [smem:$0x3FAA]  }
0x29: {  	s4 =	sld [smem:$0x3FAC]  }
0x2a: {  	p0 =	seq.s32 s5, $0x0;
	s5 =	sld [smem:$0x3FAD]  }
0x2b: {  	s6 =	sld [smem:$0x3FAE]  }
0x2c: {  	s7 =	sld [smem:$0x3FAF]  }
0x2d: {  	s3 =	simm.s32 $0x108;
	s8 =	sld [smem:$0x3FB0]  }
0x2e: {  	s3 =	simm.s32 @!p0 $0x1082;
	s9 =	sld [smem:$0x3FB1]  }
0x2f: {  	lr =	sadd.s32 s0, s3;
	s0 =	sld [smem:$0x3FA8]  }
0x30: {  	s3 =	sld [smem:$0x3FAB]  }
0x31: {  	[smem:$0x3FB4] =	sst s10  }
0x32: {  	s10 =	sld [smem:$0x3FB2];
	_ =	sdelay $0x3  }
0x33: {  	p0 =	seq.s32 s10, $0x1;
	s10 =	sld [smem:$0x3FB4];
	_ =	sdelay $0x3  }
0x34: {  	[smem:$0x3FB4] =	sst s10  }
0x35: {  	s10 =	sld [smem:$0x3FB3];
	_ =	sdelay $0x3  }
0x36: {  	p1 =	seq.s32 s10, $0x1;
	s10 =	sld [smem:$0x3FB4];
	_ =	sdelay $0x3  }
0x37: {  	[smem:$0x3FB4] =	sst s10  }
0x38: {  	s10 =	sld [smem:$0x3FB5]  }
0x39: {  	_ = 	snop;
	(pc) =	sbr.ind lr, $3  }
0x3a: {  	_ = 	snop  }
0x3b: {  	_ = 	snop  }
0x3c: {  	p2 =	seq.s32 s10, $0x1;
	s10 =	sld [smem:$0x3FB4]  }
0x3d: {  	_ =	shalt  }
0x3e: {  	_ =	shalt  }
0x3f: {  	_ =	shalt  }
0x40: {  	_ =	shalt  }
0x41: {  	_ =	shalt  }
0x42: {  	_ =	shalt  }
0x43: {  	_ =	shalt  }
0x44: {  	_ =	shalt  }
0x45: {  	_ =	shalt  }
0x46: {  	_ =	shalt  }
0x47: {  	_ =	shalt  }
0x48: {  	_ =	shalt  }
0x49: {  	_ =	shalt  }
0x4a: {  	_ =	shalt  }
0x4b: {  	_ =	shalt  }
0x4c: {  	_ =	shalt  }
0x4d: {  	_ =	shalt  }
0x4e: {  	_ =	shalt  }
0x4f: {  	_ =	shalt  }
0x50: {  	_ =	shalt  }
0x51: {  	_ =	shalt  }
0x52: {  	_ =	shalt  }
0x53: {  	_ =	shalt  }
0x54: {  	_ =	shalt  }
0x55: {  	_ =	shalt  }
0x56: {  	_ =	shalt  }
0x57: {  	_ =	shalt  }
0x58: {  	_ =	shalt  }
0x59: {  	_ =	shalt  }
0x5a: {  	_ =	shalt  }
0x5b: {  	_ =	shalt  }
0x5c: {  	_ =	shalt  }
0x5d: {  	_ =	shalt  }
0x5e: {  	_ =	shalt  }
0x5f: {  	_ =	shalt  }
0x60: {  	_ =	shalt  }
0x61: {  	_ =	shalt  }
0x62: {  	_ =	shalt  }
0x63: {  	_ =	shalt  }
0x64: {  	_ =	shalt  }
0x65: {  	_ =	shalt  }
0x66: {  	_ =	shalt  }
0x67: {  	_ =	shalt  }
0x68: {  	_ =	shalt  }
0x69: {  	_ =	shalt  }
0x6a: {  	_ =	shalt  }
0x6b: {  	_ =	shalt  }
0x6c: {  	_ =	shalt  }
0x6d: {  	_ =	shalt  }
0x6e: {  	_ =	shalt  }
0x6f: {  	_ =	shalt  }
0x70: {  	_ =	shalt  }
0x71: {  	_ =	shalt  }
0x72: {  	_ =	shalt  }
0x73: {  	_ =	shalt  }
0x74: {  	_ =	shalt  }
0x75: {  	_ =	shalt  }
0x76: {  	_ =	shalt  }
0x77: {  	_ =	shalt  }
0x78: {  	_ =	shalt  }
0x79: {  	_ =	shalt  }
0x7a: {  	_ =	shalt  }
0x7b: {  	_ =	shalt  }
0x7c: {  	_ =	shalt  }
0x7d: {  	_ =	shalt  }
0x7e: {  	_ =	shalt  }
0x7f: {  	_ =	shalt  }
0x80: {  	_ =	shalt  }
0x81: {  	_ =	shalt  }
0x82: {  	_ =	shalt  }
0x83: {  	_ =	shalt  }
0x84: {  	_ =	shalt  }
0x85: {  	_ =	shalt  }
0x86: {  	_ =	shalt  }
0x87: {  	_ =	shalt  }
.Lfunc_end0:
.L_simem_size_0:
called_computation.1_lowered:
.L_overlay_start_0:
0x88: {  	s2 =	sld [smem:$0x3FD9]  }
0x89: {  	s3 =	sld [smem:$0x3FFE];
	_ =	sdelay $0x1  }
0x8a: {  	s1 =	srdreg.scid  }
0x8b: {  	s0 =	sand.u32 $0x1, s1  }
0x8c: {  	s16 =	sshll.u32 s0, $0xA;
	s2 =	sadd.s32 s3, s2  }
0x8d: {  	s2 =	sadd.s32 s2, s16  }
0x8e: {  	[smem:$0x3FC0] =	sst s2  }
0x8f: {  	_ = 	snop  }
0x90: {  	(tm) =	ssettm $0x1  }
0x91: {  	s17 =	sld [smem:$0x3FFB];
	_ =	sdelay $0x3  }
0x92: {  	_ =	strace s17  }
0x93: {  	s2 =	sld [smem:$0x3FFC];
	_ =	sdelay $0x3  }
0x94: {  	_ =	strace s2  }
0x95: {  	s2 =	sld [smem:$0x3FFD];
	_ =	sdelay $0x3  }
0x96: {  	_ =	strace s2  }
0x97: {  	_ =	strace $0x8FFFFFFF  }
0x98: {  	s18 =	sld [smem:$0x3FDB];
	_ =	sdelay $0x1  }
0x99: {  	s19 =	simm.s32 $_scs_section_size  }
0x9a: {  	s4 =	simm.s32 $_size__tile_overlayer_lowered;
	s5 =	simm.s32 $_tile_overlayer_lowered  }
0x9b: {  	s22 =	simm.s32 $0x1BFF;
	s21 =	sshll.u32 s5, $0x1;
	s2 =	sadd.s32 s19, s18  }
0x9c: {  	s6 =	simm.s32 $0x0;
	s20 =	sshll.u32 s4, $0x1;
	s4 =	sadd.s32 s21, s2  }
0x9d: {  	[timem:s6], [sflag:s22] =	dma.local [hbm:s4], s20  }
0x9e: {  	_ =	swait.ge [sflag:s22], s20  }
0x9f: {  	s3 =	ssub.s32 $0x0, s20;
	[sflag:s22] =	ssyncset.done $0x0  }
0xa0: {  	[sflag:s22] =	ssyncadd.s32 s3;
	_ =	sdelay $0x1  }
0xa1: {  	s23 =	simm.s32 $0x1B8B  }
0xa2: {  	_ =	swait.ge [sflag:s23], $0x1  }
0xa3: {  	[sflag:s23] =	ssyncset.done $0x0  }
0xa4: {  	s25 =	simm.s32 $0x1B8E;
	s24 =	sld [smem:$0x3FFE];
	[sflag:s23] =	ssyncadd.s32 $0xFFFFFFFF  }
0xa5: {  	s26 =	simm.s32 $execute0_lowered;
	[smem:$0x3FD2] =	sst s25  }
0xa6: {  	s4 =	sshll.u32 s26, $0x1;
	_ =	strace $0x80000049;
	[dreg:$0x1] =	wrdreg $0xFFFFFFFF  }
0xa7: {  	s28 =	simm.s32 $_size_execute0_lowered;
	s2 =	sadd.s32 s2, s4;
	[dreg:$0x0] =	wrdreg $0x0  }
0xa8: {  	s4 =	sshll.u32 s28, $0x1;
	[dreg:$0x2] =	wrdreg s2  }
0xa9: {  	[dreg:$0x3] =	wrdreg s4  }
0xaa: {  	[dreg:$0x4] =	wrdreg $0xC0  }
0xab: {  	_ =	task [dreg:s6], $0x5FFFF  }
0xac: {  	[dreg:$0x1] =	wrdreg $0xFFFFFFFF  }
0xad: {  	[dreg:$0x0] =	wrdreg $0x60  }
0xae: {  	[dreg:$0x2] =	wrdreg s24  }
0xaf: {  	[dreg:$0x3] =	wrdreg $0xA0000  }
0xb0: {  	[dreg:$0x4] =	wrdreg $0x140000  }
0xb1: {  	[dreg:$0x5] =	wrdreg $0x9  }
0xb2: {  	_ =	task.clear_ibuf [dreg:s6], $0x6FFFF;
	_ =	strace $0x90000049  }
0xb3: {  	s29 =	simm.s32 $0x9;
	_ =	strace $0x8000004B  }
0xb4: {  	_ =	swait.ge [sflag:s29], $0x1  }
0xb5: {  	[sflag:s29] =	ssyncadd.s32 $0xFFFFFFFF  }
0xb6: {  	_ =	strace $0x9000004B  }
0xb7: {  	_ =	sfence  }
0xb8: {  	s30 =	sld [smem:$0x0];
	_ =	sdelay $0x2  }
0xb9: {  	s31 =	sshll.u32 s1, $0xD;
	s1 =	sshrl.u32 s1, $0x2  }
0xba: {  	s3 =	sand.u32 $0x4000, s31;
	s1 =	sadd.s32 s1, s30  }
0xbb: {  	s0 =	sor.u32 s3, s0;
	s1 =	sshll.u32 s1, $0x11  }
0xbc: {  	s0 =	sor.u32 s1, s0  }
0xbd: {  	s0 =	sadd.s32 $0x8F2B, s0  }
0xbe: {  	[sflag:s0] =	ssyncadd.remote.s32 $0x1  }
0xbf: {  	_ =	sfence.sel $0xFFFF  }
0xc0: {  	[dreg:$0x0] =	wrdreg $0xFFFFFFFF;
	(pc) =	sbr.abs _section_cstart, $3  }
0xc1: {  	[dreg:$0x1] =	wrdreg $0xFFFFFFFF  }
0xc2: {  	_ =	task.clear_ibuf [dreg:s6], $0x2FFFF;
	_ =	strace $0x9FFFFFFF  }
0xc3: {  	(tm) =	ssettm $0x7FFFFFFF  }
tec
execute0_lowered:
.L_overlay_start_1:
0x0: {  	(tag) =	ssettag $0x1  }
0x1: {  	s0 =	rddreg [dreg:$0x0]  }
0x2: {  	s1 =	rddreg [dreg:$0x1]  }
0x3: {  	s2 =	rddreg [dreg:$0x2];
	s3 =	srdreg.scid;
	s4 =	simm.s32 $0x0  }
0x4: {  	s11 =	stileid.u32;
	s13 =	simm.s32 $0x9;
	s15 =	simm.s32 $0x1000  }
0x5: {  	s16 =	simm.s32 $0x80;
	s17 =	simm.s32 $0x2000;
	s18 =	simm.s32 $0x4000  }
0x6: {  	s19 =	simm.s32 $0x100;
	s20 =	simm.s32 $0x6000;
	s21 =	simm.s32 $0x180  }
0x7: {  	s22 =	simm.s32 $0x8000;
	s28 =	simm.s32 $0x5;
	s29 =	simm.s32 $0x6  }
0x8: {  	s30 =	simm.s32 $0x7;
	s31 =	simm.s32 $0x8;
	s3 =	sand.u32 $0x1, s3  }
0x9: {  	[smem:$0x7FF] =	sst s4;
	s7 =	smul.u32 $0xA000, s11;
	s5 =	sadd.s32 $0x16E00, s0  }
0xa: {  	s23 =	sshll.u32 s11, $0x6;
	s6 =	smul.u32 $0xA0000, s3;
	s3 =	ssub.s32 $0x2, s3  }
0xb: {  	_ =	strace $0x8000004A;
	s9 =	sshrl.u32 s3, $0x1;
	s10 =	sadd.s32 s7, s1  }
0xc: {  	s8 =	sadd.s32 s7, s6;
	s6 =	sadd.s32 $0xBE00, s0;
	s3 =	ssub.s32 s3, s9  }
0xd: {  	s7 =	sadd.s32 s7, s2;
	s9 =	smul.u32 $0x5000, s11;
	s26 =	sshrl.u32 s10, $0x3  }
0xe: {  	s10 =	simm.s32 $0x1F00;
	s11 =	simm.s32 $0x1F80;
	s8 =	sshrl.u32 s8, $0x3  }
0xf: {  	s25 =	smax.u32 s3, $0x1;
	[dreg:$0x8] =	wrdreg s26;
	s14 =	sshrl.u32 s7, $0x3  }
0x10: {  	s26 =	simm.s32 $0x4;
	s3 =	simm.s32 $0x1E80;
	[dreg:$0x7] =	wrdreg s25  }
0x11: {  	s0 =	sadd.s32 s8, s0;
	s8 =	sor.u32 $0x1C09, s23;
	[dreg:$0x9] =	wrdreg s14  }
0x12: {  	s23 =	simm.s32 $0x1;
	s24 =	sadd.s32 $0x20E00, s0;
	[dreg:$0x5] =	wrdreg s8  }
0x13: {  	s25 =	simm.s32 $0x3;
	s0 =	sadd.s32 $0x48E00, s0;
	[dreg:$0x4] =	wrdreg s24  }
0x14: {  	[dreg:$0x6] =	wrdreg s0;
	s24 =	simm.s32 $0x2;
	s0 =	simm.s32 $0x1E00  }
.LBB2_1:
0x15: {  	s7 =	rddreg [dreg:$0x4]  }
0x16: {  	s12 =	rddreg [dreg:$0x8]  }
0x17: {  	[spmem:s12], [sflag:s8] =	dma.local [hbm:s7], $0x1400  }
0x18: {  	_ =	swait.ge [sflag:s13], $0x1400  }
0x19: {  	[sflag:s13] =	ssyncset.done $0x0  }
0x1a: {  	[sflag:s13] =	ssyncadd.s32 $0xFFFFEC00  }
0x1b: {  	[spmem:s14], [sflag:s8] =	dma.local [hbm:s7], $0x1400  }
0x1c: {  	_ =	swait.ge [sflag:s13], $0x1400  }
0x1d: {  	[sflag:s13] =	ssyncset.done $0x0  }
0x1e: {  	[sflag:s13] =	ssyncadd.s32 $0xFFFFEC00  }
0x1f: {  	s12 =	simm.s32 $0x0;
	[bflag:$0x0] =	sbarrier.arrive $0xFFFF  }
.LBB2_2:
0x20: {  	s7 =	sshll.u32 s12, $0xC  }
0x21: {  	s7 =	sadd.s32 s9, s7  }
0x22: {  	s7 =	sshrl.u32 s7, $0x3  }
0x23: {  	s8 =	simm.s32 $0x0;
	s14 =	sadd.s32 s5, s7  }
0x24: {  	[tilespmem:s8], [sflag:$0x9] =	stream.linear.gather [hbm4b:s14+s8], $0x1000, $0x38;
	[tilespmem:$0x1E000] =	vst v63  }
0x25: {  	_ =	swait.ge [sflag:s13], $0x1000  }
0x26: {  	[sflag:s13] =	ssyncset.done $0x0  }
0x27: {  	s7 =	sadd.s32 s6, s7;
	[sflag:s13] =	ssyncadd.s32 $0xFFFFF000  }
0x28: {  	[tilespmem:s15], [sflag:$0x9] =	stream.linear.gather [hbm4b:s7+s8], $0x1000, $0x38;
	[tilespmem:$0x1E000] =	vst v63  }
0x29: {  	_ =	swait.ge [sflag:s13], $0x1000  }
0x2a: {  	[sflag:s13] =	ssyncset.done $0x0  }
0x2b: {  	[sflag:s13] =	ssyncadd.s32 $0xFFFFF000  }
0x2c: {  	[tilespmem:s17], [sflag:$0x1] =	stream.indirect.gather [spmem:s1], $0x40, s8, s16, $0xb8;
	[tilespmem:$0x1E000] =	vst v63  }
0x2d: {  	_ = 	snop  }
0x2e: {  	[tilespmem:s18], [sflag:$0x2] =	stream.indirect.gather [spmem:s1], $0x40, s16, s16, $0xb8;
	[tilespmem:$0x1E000] =	vst v63  }
0x2f: {  	_ = 	snop  }
0x30: {  	[tilespmem:s20], [sflag:$0x3] =	stream.indirect.gather [spmem:s1], $0x40, s19, s16, $0xb8;
	[tilespmem:$0x1E000] =	vst v63  }
0x31: {  	_ = 	snop  }
0x32: {  	[tilespmem:s22], [sflag:$0x4] =	stream.indirect.gather [spmem:s1], $0x40, s21, s16, $0xb8;
	[tilespmem:$0x1E000] =	vst v63  }
0x33: {  	_ =	swait.ge [sflag:s23], $0x2000  }
0x34: {  	[sflag:s23] =	ssyncset.done $0x0  }
0x35: {  	s14 =	simm.s32 $0x1000;
	[sflag:s23] =	ssyncadd.s32 $0xFFFFE000  }
0x36: {  	[spmem:s2] =	stream.indirect.scatter.add.f32 [tilespmem:s17], [sflag:$0x5], $0x40, s14, s16, $0xb8;
	[tilespmem:$0x1E000] =	vst v63  }
0x37: {  	_ =	swait.ge [sflag:s24], $0x2000  }
0x38: {  	[sflag:s24] =	ssyncset.done $0x0  }
0x39: {  	s8 =	simm.s32 $0x1080;
	[sflag:s24] =	ssyncadd.s32 $0xFFFFE000  }
0x3a: {  	[spmem:s2] =	stream.indirect.scatter.add.f32 [tilespmem:s18], [sflag:$0x6], $0x40, s8, s16, $0xb8;
	[tilespmem:$0x1E000] =	vst v63  }
0x3b: {  	_ =	swait.ge [sflag:s25], $0x2000  }
0x3c: {  	[sflag:s25] =	ssyncset.done $0x0  }
0x3d: {  	s14 =	simm.s32 $0x1100;
	[sflag:s25] =	ssyncadd.s32 $0xFFFFE000  }
0x3e: {  	[spmem:s2] =	stream.indirect.scatter.add.f32 [tilespmem:s20], [sflag:$0x7], $0x40, s14, s16, $0xb8;
	[tilespmem:$0x1E000] =	vst v63  }
0x3f: {  	_ =	swait.ge [sflag:s26], $0x2000  }
0x40: {  	[sflag:s26] =	ssyncset.done $0x0  }
0x41: {  	s8 =	simm.s32 $0x1180;
	[sflag:s26] =	ssyncadd.s32 $0xFFFFE000  }
0x42: {  	[spmem:s2] =	stream.indirect.scatter.add.f32 [tilespmem:s22], [sflag:$0x8], $0x40, s8, s16, $0xb8;
	[tilespmem:$0x1E000] =	vst v63  }
0x43: {  	_ =	swait.ge [sflag:s28], $0x2000  }
0x44: {  	[sflag:s28] =	ssyncset.done $0x0  }
0x45: {  	s14 =	simm.s32 $0x200;
	[sflag:s28] =	ssyncadd.s32 $0xFFFFE000  }
0x46: {  	[tilespmem:s17], [sflag:$0x1] =	stream.indirect.gather [spmem:s1], $0x40, s14, s16, $0xb8;
	[tilespmem:$0x1E000] =	vst v63  }
0x47: {  	_ =	swait.ge [sflag:s29], $0x2000  }
0x48: {  	[sflag:s29] =	ssyncset.done $0x0  }
0x49: {  	s8 =	simm.s32 $0x280;
	[sflag:s29] =	ssyncadd.s32 $0xFFFFE000  }
0x4a: {  	[tilespmem:s18], [sflag:$0x2] =	stream.indirect.gather [spmem:s1], $0x40, s8, s16, $0xb8;
	[tilespmem:$0x1E000] =	vst v63  }
0x4b: {  	_ =	swait.ge [sflag:s30], $0x2000  }
0x4c: {  	[sflag:s30] =	ssyncset.done $0x0  }
0x4d: {  	s14 =	simm.s32 $0x300;
	[sflag:s30] =	ssyncadd.s32 $0xFFFFE000  }
0x4e: {  	[tilespmem:s20], [sflag:$0x3] =	stream.indirect.gather [spmem:s1], $0x40, s14, s16, $0xb8;
	[tilespmem:$0x1E000] =	vst v63  }
0x4f: {  	_ =	swait.ge [sflag:s31], $0x2000  }
0x50: {  	[sflag:s31] =	ssyncset.done $0x0  }
0x51: {  	s7 =	simm.s32 $0x800;
	s14 =	simm.s32 $0x380;
	[sflag:s31] =	ssyncadd.s32 $0xFFFFE000  }
.LBB2_3:
0x52: {  	[tilespmem:s22], [sflag:$0x4] =	stream.indirect.gather [spmem:s1], $0x40, s14, s16, $0xb8;
	[tilespmem:$0x1E000] =	vst v63  }
0x53: {  	s8 =	smov.u32 s7  }
0x54: {  	p0 =	sne.s32 s7, $0x3000;
	s7 =	sadd.s32 $0x800, s7;
	_ =	swait.ge [sflag:s23], $0x2000  }
0x55: {  	s14 =	sshra.s32 s8, $0x2;
	[sflag:s23] =	ssyncset.done $0x0  }
0x56: {  	s8 =	sadd.s32 $0x1000, s14;
	[sflag:s23] =	ssyncadd.s32 $0xFFFFE000  }
0x57: {  	[spmem:s2] =	stream.indirect.scatter.add.f32 [tilespmem:s17], [sflag:$0x5], $0x40, s8, s16, $0xb8;
	[tilespmem:$0x1E000] =	vst v63  }
0x58: {  	_ =	swait.ge [sflag:s24], $0x2000  }
0x59: {  	[sflag:s24] =	ssyncset.done $0x0  }
0x5a: {  	s8 =	sadd.s32 $0x1080, s14;
	[sflag:s24] =	ssyncadd.s32 $0xFFFFE000  }
0x5b: {  	[spmem:s2] =	stream.indirect.scatter.add.f32 [tilespmem:s18], [sflag:$0x6], $0x40, s8, s16, $0xb8;
	[tilespmem:$0x1E000] =	vst v63  }
0x5c: {  	_ =	swait.ge [sflag:s25], $0x2000  }
0x5d: {  	[sflag:s25] =	ssyncset.done $0x0  }
0x5e: {  	s8 =	sadd.s32 $0x1100, s14;
	[sflag:s25] =	ssyncadd.s32 $0xFFFFE000  }
0x5f: {  	[spmem:s2] =	stream.indirect.scatter.add.f32 [tilespmem:s20], [sflag:$0x7], $0x40, s8, s16, $0xb8;
	[tilespmem:$0x1E000] =	vst v63  }
0x60: {  	_ =	swait.ge [sflag:s26], $0x2000  }
0x61: {  	[sflag:s26] =	ssyncset.done $0x0  }
0x62: {  	s8 =	sadd.s32 $0x1180, s14;
	[sflag:s26] =	ssyncadd.s32 $0xFFFFE000  }
0x63: {  	[spmem:s2] =	stream.indirect.scatter.add.f32 [tilespmem:s22], [sflag:$0x8], $0x40, s8, s16, $0xb8;
	[tilespmem:$0x1E000] =	vst v63  }
0x64: {  	_ =	swait.ge [sflag:s28], $0x2000  }
0x65: {  	[sflag:s28] =	ssyncset.done $0x0  }
0x66: {  	s8 =	sadd.s32 $0x200, s14;
	[sflag:s28] =	ssyncadd.s32 $0xFFFFE000  }
0x67: {  	[tilespmem:s17], [sflag:$0x1] =	stream.indirect.gather [spmem:s1], $0x40, s8, s16, $0xb8;
	[tilespmem:$0x1E000] =	vst v63  }
0x68: {  	_ =	swait.ge [sflag:s29], $0x2000  }
0x69: {  	[sflag:s29] =	ssyncset.done $0x0  }
0x6a: {  	s8 =	sadd.s32 $0x280, s14;
	[sflag:s29] =	ssyncadd.s32 $0xFFFFE000  }
0x6b: {  	[tilespmem:s18], [sflag:$0x2] =	stream.indirect.gather [spmem:s1], $0x40, s8, s16, $0xb8;
	[tilespmem:$0x1E000] =	vst v63  }
0x6c: {  	_ =	swait.ge [sflag:s30], $0x2000  }
0x6d: {  	[sflag:s30] =	ssyncset.done $0x0  }
.Ltmp0:
0x6e: {  	s8 =	sadd.s32 $0x300, s14;
	[sflag:s30] =	ssyncadd.s32 $0xFFFFE000;
	(pc) =	sbr.rel @p0 .LBB2_3-.Ltmp0, $4  }
0x6f: {  	[tilespmem:s20], [sflag:$0x3] =	stream.indirect.gather [spmem:s1], $0x40, s8, s16, $0xb8;
	[tilespmem:$0x1E000] =	vst v63  }
0x70: {  	_ =	swait.ge [sflag:s31], $0x2000  }
0x71: {  	[sflag:s31] =	ssyncset.done $0x0  }
0x72: {  	s14 =	sadd.s32 $0x380, s14;
	[sflag:s31] =	ssyncadd.s32 $0xFFFFE000  }
0x73: {  	[tilespmem:s22], [sflag:$0x4] =	stream.indirect.gather [spmem:s1], $0x40, s14, s16, $0xb8;
	[tilespmem:$0x1E000] =	vst v63  }
0x74: {  	_ =	swait.ge [sflag:s23], $0x2000  }
0x75: {  	[sflag:s23] =	ssyncset.done $0x0  }
0x76: {  	[sflag:s23] =	ssyncadd.s32 $0xFFFFE000  }
0x77: {  	[spmem:s2] =	stream.indirect.scatter.add.f32 [tilespmem:s17], [sflag:$0x5], $0x40, s0, s16, $0xb8;
	[tilespmem:$0x1E000] =	vst v63  }
0x78: {  	_ =	swait.ge [sflag:s24], $0x2000  }
0x79: {  	[sflag:s24] =	ssyncset.done $0x0  }
0x7a: {  	[sflag:s24] =	ssyncadd.s32 $0xFFFFE000  }
0x7b: {  	[spmem:s2] =	stream.indirect.scatter.add.f32 [tilespmem:s18], [sflag:$0x6], $0x40, s3, s16, $0xb8;
	[tilespmem:$0x1E000] =	vst v63  }
0x7c: {  	_ =	swait.ge [sflag:s25], $0x2000  }
0x7d: {  	[sflag:s25] =	ssyncset.done $0x0  }
0x7e: {  	[sflag:s25] =	ssyncadd.s32 $0xFFFFE000  }
0x7f: {  	[spmem:s2] =	stream.indirect.scatter.add.f32 [tilespmem:s20], [sflag:$0x7], $0x40, s10, s16, $0xb8;
	[tilespmem:$0x1E000] =	vst v63  }
0x80: {  	_ =	swait.ge [sflag:s26], $0x2000  }
0x81: {  	[sflag:s26] =	ssyncset.done $0x0  }
0x82: {  	[sflag:s26] =	ssyncadd.s32 $0xFFFFE000  }
0x83: {  	[spmem:s2] =	stream.indirect.scatter.add.f32 [tilespmem:s22], [sflag:$0x8], $0x40, s11, s16, $0xb8;
	[tilespmem:$0x1E000] =	vst v63  }
0x84: {  	_ =	swait.ge [sflag:s28], $0x2000  }
0x85: {  	[sflag:s28] =	ssyncset.done $0x0  }
0x86: {  	[sflag:s28] =	ssyncadd.s32 $0xFFFFE000  }
0x87: {  	_ =	swait.ge [sflag:s29], $0x2000  }
0x88: {  	[sflag:s29] =	ssyncset.done $0x0  }
0x89: {  	s12 =	sadd.s32 $0x1, s12;
	[sflag:s29] =	ssyncadd.s32 $0xFFFFE000  }
0x8a: {  	p0 =	sne.s32 s12, $0x5;
	_ =	swait.ge [sflag:s30], $0x2000  }
.Ltmp1:
0x8b: {  	[sflag:s30] =	ssyncset.done $0x0;
	(pc) =	sbr.rel @p0 .LBB2_2-.Ltmp1, $4  }
0x8c: {  	[sflag:s30] =	ssyncadd.s32 $0xFFFFE000  }
0x8d: {  	_ =	swait.ge [sflag:s31], $0x2000  }
0x8e: {  	[sflag:s31] =	ssyncset.done $0x0  }
0x8f: {  	[sflag:s31] =	ssyncadd.s32 $0xFFFFE000  }
0x90: {  	[bflag:$0x0] =	sbarrier.arrive $0xFFFF  }
0x91: {  	s8 =	rddreg [dreg:$0x5]  }
0x92: {  	s7 =	rddreg [dreg:$0x6]  }
0x93: {  	s14 =	rddreg [dreg:$0x9]  }
0x94: {  	[hbm:s7], [sflag:s8] =	dma.local [spmem:s14], $0x1400  }
0x95: {  	_ =	swait.ge [sflag:s13], $0x1400  }
0x96: {  	s4 =	sadd.s32 $0x1, s4;
	s12 =	rddreg [dreg:$0x7]  }
0x97: {  	p0 =	sne.s32 s4, s12  }
.Ltmp2:
0x98: {  	_ = 	snop;
	(pc) =	sbr.rel @p0 .LBB2_1-.Ltmp2, $3  }
0x99: {  	_ =	sdelay $0x1  }
0x9a: {  	[sflag:s13] =	ssyncset.done $0x0  }
0x9b: {  	[sflag:s13] =	ssyncadd.s32 $0xFFFFEC00  }
0x9c: {  	_ =	sfence.sel $0x180000  }
0x9d: {  	[bflag:$0x0] =	sbarrier.arrive $0xFFFF  }
0x9e: {  	_ =	strace $0x9000004A  }
0x9f: {  	s0 =	stileid.u32;
	[bflag:$0x2] =	sbarrier.arrive $0xFFFF  }
0xa0: {  	p0 =	sne.s32 s0, $0x0;
	s0 =	rddreg [dreg:$0x3]  }
0xa1: {  	s0 =	sadd.s32 @!p0 $0x100000, s0  }
0xa2: {  	[sflag:s0] =	ssyncadd.tile.s32 @!p0 $0x1;
	_ =	shalt  }
.Lfunc_end2:
_tile_overlayer_lowered:
.L_overlay_start_2:
0xa3: {  	(tag) =	ssettag $0x2  }
0xa4: {  	s0 =	rddreg [dreg:$0x0];
	s2 =	stileid.u32  }
0xa5: {  	s1 =	rddreg [dreg:$0x1];
	p0 =	sne.s32 s2, $0x0  }
0xa6: {  	s3 =	rddreg [dreg:$0x2];
	[bflag:$0x3] =	sbarrier.arrive $0xFFFF;
	s2 =	simm.s32 @!p0 $0x1C09  }
0xa7: {  	[timem:s3], [sflag:s2] =	dma.local @!p0 [hbm:s0], s1  }
0xa8: {  	s0 =	simm.s32 @!p0 $0x9  }
0xa9: {  	_ =	swait.ge @!p0 [sflag:s0], s1  }
0xaa: {  	s1 =	ssub.s32 @!p0 $0x0, s1;
	[sflag:s0] =	ssyncset.done @!p0 $0x0  }
0xab: {  	[sflag:s0] =	ssyncadd.s32 @!p0 s1  }
0xac: {  	[bflag:$0x3] =	sbarrier.arrive $0xFFFF  }
0xad: {  	_ =	shalt  }

// kernel: kernel.15.cloned.1.call-start
scs
__scs_entry_jumppad:
0x0: {  	(pc) =	sbr.rel $0x88, $3  }
0x1: {  	(tag) =	ssettag $0x0;
	lr =	simm.s32 $0x1  }
0x2: {  	[smem:$0x3F99] =	sst lr;
	_ =	strace $0xD0000000  }
0x3: {  	_ = 	snop  }
0x4: {  	_ = 	snop  }
0x5: {  	_ = 	snop  }
0x6: {  	_ = 	snop  }
0x7: {  	_ = 	snop  }
__scs_overlays_trampoline_lowered:
0x8: {  	[smem:$0x3FA8] =	sst s0  }
0x9: {  	[smem:$0x3FA9] =	sst s1  }
0xa: {  	[smem:$0x3FAA] =	sst s2  }
0xb: {  	[smem:$0x3FAB] =	sst s3  }
0xc: {  	[smem:$0x3FAC] =	sst s4  }
0xd: {  	[smem:$0x3FAD] =	sst s5  }
0xe: {  	[smem:$0x3FAE] =	sst s6  }
0xf: {  	[smem:$0x3FAF] =	sst s7  }
0x10: {  	[smem:$0x3FB0] =	sst s8  }
0x11: {  	[smem:$0x3FB1] =	sst s9;
	s0 =	simm.s32 @!p0 $0x0  }
0x12: {  	s1 =	sld [smem:$0x3F97];
	s0 =	simm.s32 @p0 $0x1  }
0x13: {  	[smem:$0x3FB2] =	sst s0;
	s0 =	simm.s32 @!p1 $0x0  }
0x14: {  	s2 =	sld [smem:$0x3F96];
	s0 =	simm.s32 @p1 $0x1  }
0x15: {  	[smem:$0x3FB3] =	sst s0;
	s0 =	simm.s32 @!p2 $0x0  }
0x16: {  	s3 =	sld [smem:$0x3FDB];
	s0 =	simm.s32 @p2 $0x1  }
0x17: {  	s4 =	simm.s32 $0x1BF5;
	[smem:$0x3FB5] =	sst s0  }
0x18: {  	s0 =	sld [smem:$0x3F98];
	_ =	swait.ge [sflag:s4], $0x0  }
0x19: {  	s7 =	sld [smem:$0x3F99]  }
0x1a: {  	s8 =	sadd.s32 $0xFFFFE003, lr  }
0x1b: {  	s9 =	sadd.s32 $0xFFFFFEF7, lr;
	s5 =	simm.s32 $0xFFFFFFFF;
	p2 =	slt.u32 s8, $0xFFFFF086  }
0x1c: {  	p1 =	slt.u32 s9, $0xF7A;
	s5 =	simm.s32 @!p2 $0x0  }
0x1d: {  	s5 =	simm.s32 @p1 $0x1;
	p0 =	seq.s32 s7, s2  }
0x1e: {  	s7 =	smul.u32 @!p0 $0xF7A, s2;
	p2 =	seq.s32 @!p0 s5, $0x0  }
0x1f: {  	s9 =	smul.u32 $0xF7A, s1;
	s8 =	simm.s32 @!p0 $0x1BF5;
	p2 =	por !p2, p0  }
0x20: {  	[sflag:s8] =	ssyncset.s32 @!p0 $0xFFFFF086;
	s6 =	sadd.s32 @!p0 s3, s7;
	s7 =	simm.s32 @!p0 $0x108  }
0x21: {  	s3 =	sadd.s32 s3, s9;
	s6 =	sadd.s32 @!p0 $0x88, s6;
	s7 =	simm.s32 @p2 $0x1082  }
0x22: {  	[simem:s7], [sflag:s8] =	dma.local @!p0 [hbm:s6], $0xF7A  }
0x23: {  	s9 =	sor.u32 $0xD0000000, s2;
	s6 =	simm.s32 $0x108;
	_ =	swait.ge @!p0 [sflag:s8], $0x0  }
0x24: {  	s3 =	sadd.s32 $0x88, s3;
	s6 =	simm.s32 @!p1 $0x1082;
	[sflag:s4] =	ssyncset.s32 $0xFFFFF086  }
0x25: {  	[simem:s6], [sflag:s4] =	dma.local [hbm:s3], $0xF7A  }
0x26: {  	[smem:$0x3F99] =	sst s1;
	(tag) =	ssettag s2;
	_ =	strace s9  }
0x27: {  	s1 =	sld [smem:$0x3FA9]  }
0x28: {  	s2 =	sld [smem:$0x3FAA]  }
0x29: {  	s4 =	sld [smem:$0x3FAC]  }
0x2a: {  	p0 =	seq.s32 s5, $0x0;
	s5 =	sld [smem:$0x3FAD]  }
0x2b: {  	s6 =	sld [smem:$0x3FAE]  }
0x2c: {  	s7 =	sld [smem:$0x3FAF]  }
0x2d: {  	s3 =	simm.s32 $0x108;
	s8 =	sld [smem:$0x3FB0]  }
0x2e: {  	s3 =	simm.s32 @!p0 $0x1082;
	s9 =	sld [smem:$0x3FB1]  }
0x2f: {  	lr =	sadd.s32 s0, s3;
	s0 =	sld [smem:$0x3FA8]  }
0x30: {  	s3 =	sld [smem:$0x3FAB]  }
0x31: {  	[smem:$0x3FB4] =	sst s10  }
0x32: {  	s10 =	sld [smem:$0x3FB2];
	_ =	sdelay $0x3  }
0x33: {  	p0 =	seq.s32 s10, $0x1;
	s10 =	sld [smem:$0x3FB4];
	_ =	sdelay $0x3  }
0x34: {  	[smem:$0x3FB4] =	sst s10  }
0x35: {  	s10 =	sld [smem:$0x3FB3];
	_ =	sdelay $0x3  }
0x36: {  	p1 =	seq.s32 s10, $0x1;
	s10 =	sld [smem:$0x3FB4];
	_ =	sdelay $0x3  }
0x37: {  	[smem:$0x3FB4] =	sst s10  }
0x38: {  	s10 =	sld [smem:$0x3FB5]  }
0x39: {  	_ = 	snop;
	(pc) =	sbr.ind lr, $3  }
0x3a: {  	_ = 	snop  }
0x3b: {  	_ = 	snop  }
0x3c: {  	p2 =	seq.s32 s10, $0x1;
	s10 =	sld [smem:$0x3FB4]  }
0x3d: {  	_ =	shalt  }
0x3e: {  	_ =	shalt  }
0x3f: {  	_ =	shalt  }
0x40: {  	_ =	shalt  }
0x41: {  	_ =	shalt  }
0x42: {  	_ =	shalt  }
0x43: {  	_ =	shalt  }
0x44: {  	_ =	shalt  }
0x45: {  	_ =	shalt  }
0x46: {  	_ =	shalt  }
0x47: {  	_ =	shalt  }
0x48: {  	_ =	shalt  }
0x49: {  	_ =	shalt  }
0x4a: {  	_ =	shalt  }
0x4b: {  	_ =	shalt  }
0x4c: {  	_ =	shalt  }
0x4d: {  	_ =	shalt  }
0x4e: {  	_ =	shalt  }
0x4f: {  	_ =	shalt  }
0x50: {  	_ =	shalt  }
0x51: {  	_ =	shalt  }
0x52: {  	_ =	shalt  }
0x53: {  	_ =	shalt  }
0x54: {  	_ =	shalt  }
0x55: {  	_ =	shalt  }
0x56: {  	_ =	shalt  }
0x57: {  	_ =	shalt  }
0x58: {  	_ =	shalt  }
0x59: {  	_ =	shalt  }
0x5a: {  	_ =	shalt  }
0x5b: {  	_ =	shalt  }
0x5c: {  	_ =	shalt  }
0x5d: {  	_ =	shalt  }
0x5e: {  	_ =	shalt  }
0x5f: {  	_ =	shalt  }
0x60: {  	_ =	shalt  }
0x61: {  	_ =	shalt  }
0x62: {  	_ =	shalt  }
0x63: {  	_ =	shalt  }
0x64: {  	_ =	shalt  }
0x65: {  	_ =	shalt  }
0x66: {  	_ =	shalt  }
0x67: {  	_ =	shalt  }
0x68: {  	_ =	shalt  }
0x69: {  	_ =	shalt  }
0x6a: {  	_ =	shalt  }
0x6b: {  	_ =	shalt  }
0x6c: {  	_ =	shalt  }
0x6d: {  	_ =	shalt  }
0x6e: {  	_ =	shalt  }
0x6f: {  	_ =	shalt  }
0x70: {  	_ =	shalt  }
0x71: {  	_ =	shalt  }
0x72: {  	_ =	shalt  }
0x73: {  	_ =	shalt  }
0x74: {  	_ =	shalt  }
0x75: {  	_ =	shalt  }
0x76: {  	_ =	shalt  }
0x77: {  	_ =	shalt  }
0x78: {  	_ =	shalt  }
0x79: {  	_ =	shalt  }
0x7a: {  	_ =	shalt  }
0x7b: {  	_ =	shalt  }
0x7c: {  	_ =	shalt  }
0x7d: {  	_ =	shalt  }
0x7e: {  	_ =	shalt  }
0x7f: {  	_ =	shalt  }
0x80: {  	_ =	shalt  }
0x81: {  	_ =	shalt  }
0x82: {  	_ =	shalt  }
0x83: {  	_ =	shalt  }
0x84: {  	_ =	shalt  }
0x85: {  	_ =	shalt  }
0x86: {  	_ =	shalt  }
0x87: {  	_ =	shalt  }
.Lfunc_end0:
.L_simem_size_0:
called_computation.2_lowered:
.L_overlay_start_0:
0x88: {  	s2 =	sld [smem:$0x3FD9]  }
0x89: {  	s3 =	sld [smem:$0x3FFE];
	_ =	sdelay $0x1  }
0x8a: {  	s1 =	srdreg.scid  }
0x8b: {  	s0 =	sand.u32 $0x1, s1  }
0x8c: {  	s16 =	sshll.u32 s0, $0xA;
	s2 =	sadd.s32 s3, s2  }
0x8d: {  	s2 =	sadd.s32 s2, s16  }
0x8e: {  	[smem:$0x3FC0] =	sst s2  }
0x8f: {  	_ = 	snop  }
0x90: {  	(tm) =	ssettm $0x1  }
0x91: {  	s17 =	sld [smem:$0x3FFB];
	_ =	sdelay $0x3  }
0x92: {  	_ =	strace s17  }
0x93: {  	s2 =	sld [smem:$0x3FFC];
	_ =	sdelay $0x3  }
0x94: {  	_ =	strace s2  }
0x95: {  	s2 =	sld [smem:$0x3FFD];
	_ =	sdelay $0x3  }
0x96: {  	_ =	strace s2  }
0x97: {  	_ =	strace $0x8FFFFFFF  }
0x98: {  	s18 =	sld [smem:$0x3FDB];
	_ =	sdelay $0x1  }
0x99: {  	s19 =	simm.s32 $_scs_section_size  }
0x9a: {  	s4 =	simm.s32 $_size__tile_overlayer_lowered;
	s5 =	simm.s32 $_tile_overlayer_lowered  }
0x9b: {  	s22 =	simm.s32 $0x1BFF;
	s21 =	sshll.u32 s5, $0x1;
	s2 =	sadd.s32 s19, s18  }
0x9c: {  	s6 =	simm.s32 $0x0;
	s20 =	sshll.u32 s4, $0x1;
	s4 =	sadd.s32 s21, s2  }
0x9d: {  	[timem:s6], [sflag:s22] =	dma.local [hbm:s4], s20  }
0x9e: {  	_ =	swait.ge [sflag:s22], s20  }
0x9f: {  	s3 =	ssub.s32 $0x0, s20;
	[sflag:s22] =	ssyncset.done $0x0  }
0xa0: {  	[sflag:s22] =	ssyncadd.s32 s3;
	_ =	sdelay $0x1  }
0xa1: {  	s23 =	simm.s32 $0x1B8B  }
0xa2: {  	_ =	swait.ge [sflag:s23], $0x1  }
0xa3: {  	[sflag:s23] =	ssyncset.done $0x0  }
0xa4: {  	s25 =	simm.s32 $0x1B8E;
	s24 =	sld [smem:$0x3FFE];
	[sflag:s23] =	ssyncadd.s32 $0xFFFFFFFF  }
0xa5: {  	s26 =	simm.s32 $execute0_lowered;
	[smem:$0x3FD2] =	sst s25  }
0xa6: {  	s4 =	sshll.u32 s26, $0x1;
	_ =	strace $0x8000004C;
	[dreg:$0x1] =	wrdreg $0xFFFFFFFF  }
0xa7: {  	s28 =	simm.s32 $_size_execute0_lowered;
	s2 =	sadd.s32 s2, s4;
	[dreg:$0x0] =	wrdreg $0x0  }
0xa8: {  	s4 =	sshll.u32 s28, $0x1;
	[dreg:$0x2] =	wrdreg s2  }
0xa9: {  	[dreg:$0x3] =	wrdreg s4  }
0xaa: {  	[dreg:$0x4] =	wrdreg $0xC0  }
0xab: {  	_ =	task [dreg:s6], $0x5FFFF  }
0xac: {  	[dreg:$0x1] =	wrdreg $0xFFFFFFFF  }
0xad: {  	[dreg:$0x0] =	wrdreg $0x60  }
0xae: {  	[dreg:$0x2] =	wrdreg s24  }
0xaf: {  	[dreg:$0x3] =	wrdreg $0x60000  }
0xb0: {  	[dreg:$0x4] =	wrdreg $0xB0000  }
0xb1: {  	[dreg:$0x5] =	wrdreg $0x9  }
0xb2: {  	_ =	task.clear_ibuf [dreg:s6], $0x6FFFF;
	_ =	strace $0x9000004C  }
0xb3: {  	s29 =	simm.s32 $0x9;
	_ =	strace $0x8000004E  }
0xb4: {  	_ =	swait.ge [sflag:s29], $0x1  }
0xb5: {  	[sflag:s29] =	ssyncadd.s32 $0xFFFFFFFF  }
0xb6: {  	_ =	strace $0x9000004E  }
0xb7: {  	_ =	sfence  }
0xb8: {  	s30 =	sld [smem:$0x0];
	_ =	sdelay $0x2  }
0xb9: {  	s31 =	sshll.u32 s1, $0xD;
	s1 =	sshrl.u32 s1, $0x2  }
0xba: {  	s3 =	sand.u32 $0x4000, s31;
	s1 =	sadd.s32 s1, s30  }
0xbb: {  	s0 =	sor.u32 s3, s0;
	s1 =	sshll.u32 s1, $0x11  }
0xbc: {  	s0 =	sor.u32 s1, s0  }
0xbd: {  	s0 =	sadd.s32 $0x8F2B, s0  }
0xbe: {  	[sflag:s0] =	ssyncadd.remote.s32 $0x1  }
0xbf: {  	_ =	sfence.sel $0xFFFF  }
0xc0: {  	[dreg:$0x0] =	wrdreg $0xFFFFFFFF;
	(pc) =	sbr.abs _section_cstart, $3  }
0xc1: {  	[dreg:$0x1] =	wrdreg $0xFFFFFFFF  }
0xc2: {  	_ =	task.clear_ibuf [dreg:s6], $0x2FFFF;
	_ =	strace $0x9FFFFFFF  }
0xc3: {  	(tm) =	ssettm $0x7FFFFFFF  }
tec
execute0_lowered:
.L_overlay_start_1:
0x0: {  	(tag) =	ssettag $0x1  }
0x1: {  	s0 =	rddreg [dreg:$0x0]  }
0x2: {  	s2 =	rddreg [dreg:$0x1]  }
0x3: {  	s1 =	srdreg.scid;
	s3 =	rddreg [dreg:$0x2]  }
0x4: {  	s10 =	stileid.u32;
	s4 =	simm.s32 $0x0;
	s13 =	simm.s32 $0x9  }
0x5: {  	s15 =	simm.s32 $0x1000;
	s16 =	simm.s32 $0x80;
	s17 =	simm.s32 $0x2000  }
0x6: {  	s18 =	simm.s32 $0x3000;
	s19 =	simm.s32 $0x100;
	s20 =	simm.s32 $0x4000  }
0x7: {  	s28 =	simm.s32 $0x5;
	s29 =	simm.s32 $0x6;
	s30 =	simm.s32 $0x7  }
0x8: {  	s31 =	simm.s32 $0x8;
	s11 =	simm.s32 $0x1F80;
	s1 =	sand.u32 $0x1, s1  }
0x9: {  	s5 =	smul.u32 $0x5000, s10;
	[smem:$0x7FF] =	sst s4;
	s23 =	sshll.u32 s10, $0x6  }
0xa: {  	s10 =	simm.s32 $0x1F00;
	s6 =	smul.u32 $0x50000, s1;
	s1 =	ssub.s32 $0x2, s1  }
0xb: {  	_ =	strace $0x8000004D;
	s9 =	sshrl.u32 s1, $0x1;
	s21 =	sadd.s32 s5, s2  }
0xc: {  	s24 =	sadd.s32 s5, s3;
	s7 =	sadd.s32 s5, s6;
	s6 =	sadd.s32 $0x16E00, s0  }
0xd: {  	s1 =	ssub.s32 s1, s9;
	s9 =	sor.u32 $0x1C09, s23;
	s26 =	sshrl.u32 s21, $0x3  }
0xe: {  	s14 =	sshrl.u32 s24, $0x3;
	s21 =	simm.s32 $0x180;
	s23 =	simm.s32 $0x1  }
0xf: {  	s24 =	simm.s32 $0x2;
	s8 =	sshrl.u32 s7, $0x3;
	[dreg:$0x8] =	wrdreg s26  }
0x10: {  	s7 =	sadd.s32 $0xBE00, s0;
	s25 =	smax.u32 s1, $0x1;
	[dreg:$0x5] =	wrdreg s9  }
0x11: {  	s26 =	simm.s32 $0x4;
	[dreg:$0x9] =	wrdreg s14;
	s0 =	sadd.s32 s8, s0  }
0x12: {  	s1 =	simm.s32 $0x1E80;
	[dreg:$0x7] =	wrdreg s25;
	s22 =	sadd.s32 $0x20E00, s0  }
0x13: {  	s25 =	simm.s32 $0x3;
	s0 =	sadd.s32 $0x34E00, s0;
	[dreg:$0x4] =	wrdreg s22  }
0x14: {  	[dreg:$0x6] =	wrdreg s0;
	s22 =	simm.s32 $0x5000;
	s0 =	simm.s32 $0x1E00  }
.LBB2_1:
0x15: {  	s8 =	rddreg [dreg:$0x4]  }
0x16: {  	s12 =	rddreg [dreg:$0x8]  }
0x17: {  	[spmem:s12], [sflag:s9] =	dma.local [hbm:s8], $0xA00  }
0x18: {  	_ =	swait.ge [sflag:s13], $0xA00  }
0x19: {  	[sflag:s13] =	ssyncset.done $0x0  }
0x1a: {  	[sflag:s13] =	ssyncadd.s32 $0xFFFFF600  }
0x1b: {  	[spmem:s14], [sflag:s9] =	dma.local [hbm:s8], $0xA00  }
0x1c: {  	_ =	swait.ge [sflag:s13], $0xA00  }
0x1d: {  	[sflag:s13] =	ssyncset.done $0x0  }
0x1e: {  	[sflag:s13] =	ssyncadd.s32 $0xFFFFF600  }
0x1f: {  	s12 =	simm.s32 $0x0;
	[bflag:$0x0] =	sbarrier.arrive $0xFFFF  }
.LBB2_2:
0x20: {  	s8 =	sshll.u32 s12, $0xC  }
0x21: {  	s8 =	sadd.s32 s5, s8  }
0x22: {  	s8 =	sshrl.u32 s8, $0x3  }
0x23: {  	s9 =	simm.s32 $0x0;
	s14 =	sadd.s32 s6, s8  }
0x24: {  	[tilespmem:s9], [sflag:$0x9] =	stream.linear.gather [hbm4b:s14+s9], $0x1000, $0x38;
	[tilespmem:$0x10000] =	vst v63  }
0x25: {  	_ =	swait.ge [sflag:s13], $0x1000  }
0x26: {  	[sflag:s13] =	ssyncset.done $0x0  }
0x27: {  	s8 =	sadd.s32 s7, s8;
	[sflag:s13] =	ssyncadd.s32 $0xFFFFF000  }
0x28: {  	[tilespmem:s15], [sflag:$0x9] =	stream.linear.gather [hbm4b:s8+s9], $0x1000, $0x38;
	[tilespmem:$0x10000] =	vst v63  }
0x29: {  	_ =	swait.ge [sflag:s13], $0x1000  }
0x2a: {  	[sflag:s13] =	ssyncset.done $0x0  }
0x2b: {  	[sflag:s13] =	ssyncadd.s32 $0xFFFFF000  }
0x2c: {  	[tilespmem:s17], [sflag:$0x1] =	stream.indirect.gather [spmem:s2], $0x20, s9, s16, $0xb8;
	[tilespmem:$0x10000] =	vst v63  }
0x2d: {  	_ = 	snop  }
0x2e: {  	[tilespmem:s18], [sflag:$0x2] =	stream.indirect.gather [spmem:s2], $0x20, s16, s16, $0xb8;
	[tilespmem:$0x10000] =	vst v63  }
0x2f: {  	_ = 	snop  }
0x30: {  	[tilespmem:s20], [sflag:$0x3] =	stream.indirect.gather [spmem:s2], $0x20, s19, s16, $0xb8;
	[tilespmem:$0x10000] =	vst v63  }
0x31: {  	_ = 	snop  }
0x32: {  	[tilespmem:s22], [sflag:$0x4] =	stream.indirect.gather [spmem:s2], $0x20, s21, s16, $0xb8;
	[tilespmem:$0x10000] =	vst v63  }
0x33: {  	_ =	swait.ge [sflag:s23], $0x1000  }
0x34: {  	[sflag:s23] =	ssyncset.done $0x0  }
0x35: {  	s14 =	simm.s32 $0x1000;
	[sflag:s23] =	ssyncadd.s32 $0xFFFFF000  }
0x36: {  	[spmem:s3] =	stream.indirect.scatter.add.f32 [tilespmem:s17], [sflag:$0x5], $0x20, s14, s16, $0xb8;
	[tilespmem:$0x10000] =	vst v63  }
0x37: {  	_ =	swait.ge [sflag:s24], $0x1000  }
0x38: {  	[sflag:s24] =	ssyncset.done $0x0  }
0x39: {  	s9 =	simm.s32 $0x1080;
	[sflag:s24] =	ssyncadd.s32 $0xFFFFF000  }
0x3a: {  	[spmem:s3] =	stream.indirect.scatter.add.f32 [tilespmem:s18], [sflag:$0x6], $0x20, s9, s16, $0xb8;
	[tilespmem:$0x10000] =	vst v63  }
0x3b: {  	_ =	swait.ge [sflag:s25], $0x1000  }
0x3c: {  	[sflag:s25] =	ssyncset.done $0x0  }
0x3d: {  	s14 =	simm.s32 $0x1100;
	[sflag:s25] =	ssyncadd.s32 $0xFFFFF000  }
0x3e: {  	[spmem:s3] =	stream.indirect.scatter.add.f32 [tilespmem:s20], [sflag:$0x7], $0x20, s14, s16, $0xb8;
	[tilespmem:$0x10000] =	vst v63  }
0x3f: {  	_ =	swait.ge [sflag:s26], $0x1000  }
0x40: {  	[sflag:s26] =	ssyncset.done $0x0  }
0x41: {  	s9 =	simm.s32 $0x1180;
	[sflag:s26] =	ssyncadd.s32 $0xFFFFF000  }
0x42: {  	[spmem:s3] =	stream.indirect.scatter.add.f32 [tilespmem:s22], [sflag:$0x8], $0x20, s9, s16, $0xb8;
	[tilespmem:$0x10000] =	vst v63  }
0x43: {  	_ =	swait.ge [sflag:s28], $0x1000  }
0x44: {  	[sflag:s28] =	ssyncset.done $0x0  }
0x45: {  	s14 =	simm.s32 $0x200;
	[sflag:s28] =	ssyncadd.s32 $0xFFFFF000  }
0x46: {  	[tilespmem:s17], [sflag:$0x1] =	stream.indirect.gather [spmem:s2], $0x20, s14, s16, $0xb8;
	[tilespmem:$0x10000] =	vst v63  }
0x47: {  	_ =	swait.ge [sflag:s29], $0x1000  }
0x48: {  	[sflag:s29] =	ssyncset.done $0x0  }
0x49: {  	s9 =	simm.s32 $0x280;
	[sflag:s29] =	ssyncadd.s32 $0xFFFFF000  }
0x4a: {  	[tilespmem:s18], [sflag:$0x2] =	stream.indirect.gather [spmem:s2], $0x20, s9, s16, $0xb8;
	[tilespmem:$0x10000] =	vst v63  }
0x4b: {  	_ =	swait.ge [sflag:s30], $0x1000  }
0x4c: {  	[sflag:s30] =	ssyncset.done $0x0  }
0x4d: {  	s14 =	simm.s32 $0x300;
	[sflag:s30] =	ssyncadd.s32 $0xFFFFF000  }
0x4e: {  	[tilespmem:s20], [sflag:$0x3] =	stream.indirect.gather [spmem:s2], $0x20, s14, s16, $0xb8;
	[tilespmem:$0x10000] =	vst v63  }
0x4f: {  	_ =	swait.ge [sflag:s31], $0x1000  }
0x50: {  	[sflag:s31] =	ssyncset.done $0x0  }
0x51: {  	s8 =	simm.s32 $0x800;
	s14 =	simm.s32 $0x380;
	[sflag:s31] =	ssyncadd.s32 $0xFFFFF000  }
.LBB2_3:
0x52: {  	[tilespmem:s22], [sflag:$0x4] =	stream.indirect.gather [spmem:s2], $0x20, s14, s16, $0xb8;
	[tilespmem:$0x10000] =	vst v63  }
0x53: {  	s9 =	smov.u32 s8  }
0x54: {  	p0 =	sne.s32 s8, $0x3000;
	s8 =	sadd.s32 $0x800, s8;
	_ =	swait.ge [sflag:s23], $0x1000  }
0x55: {  	s14 =	sshra.s32 s9, $0x2;
	[sflag:s23] =	ssyncset.done $0x0  }
0x56: {  	s9 =	sadd.s32 $0x1000, s14;
	[sflag:s23] =	ssyncadd.s32 $0xFFFFF000  }
0x57: {  	[spmem:s3] =	stream.indirect.scatter.add.f32 [tilespmem:s17], [sflag:$0x5], $0x20, s9, s16, $0xb8;
	[tilespmem:$0x10000] =	vst v63  }
0x58: {  	_ =	swait.ge [sflag:s24], $0x1000  }
0x59: {  	[sflag:s24] =	ssyncset.done $0x0  }
0x5a: {  	s9 =	sadd.s32 $0x1080, s14;
	[sflag:s24] =	ssyncadd.s32 $0xFFFFF000  }
0x5b: {  	[spmem:s3] =	stream.indirect.scatter.add.f32 [tilespmem:s18], [sflag:$0x6], $0x20, s9, s16, $0xb8;
	[tilespmem:$0x10000] =	vst v63  }
0x5c: {  	_ =	swait.ge [sflag:s25], $0x1000  }
0x5d: {  	[sflag:s25] =	ssyncset.done $0x0  }
0x5e: {  	s9 =	sadd.s32 $0x1100, s14;
	[sflag:s25] =	ssyncadd.s32 $0xFFFFF000  }
0x5f: {  	[spmem:s3] =	stream.indirect.scatter.add.f32 [tilespmem:s20], [sflag:$0x7], $0x20, s9, s16, $0xb8;
	[tilespmem:$0x10000] =	vst v63  }
0x60: {  	_ =	swait.ge [sflag:s26], $0x1000  }
0x61: {  	[sflag:s26] =	ssyncset.done $0x0  }
0x62: {  	s9 =	sadd.s32 $0x1180, s14;
	[sflag:s26] =	ssyncadd.s32 $0xFFFFF000  }
0x63: {  	[spmem:s3] =	stream.indirect.scatter.add.f32 [tilespmem:s22], [sflag:$0x8], $0x20, s9, s16, $0xb8;
	[tilespmem:$0x10000] =	vst v63  }
0x64: {  	_ =	swait.ge [sflag:s28], $0x1000  }
0x65: {  	[sflag:s28] =	ssyncset.done $0x0  }
0x66: {  	s9 =	sadd.s32 $0x200, s14;
	[sflag:s28] =	ssyncadd.s32 $0xFFFFF000  }
0x67: {  	[tilespmem:s17], [sflag:$0x1] =	stream.indirect.gather [spmem:s2], $0x20, s9, s16, $0xb8;
	[tilespmem:$0x10000] =	vst v63  }
0x68: {  	_ =	swait.ge [sflag:s29], $0x1000  }
0x69: {  	[sflag:s29] =	ssyncset.done $0x0  }
0x6a: {  	s9 =	sadd.s32 $0x280, s14;
	[sflag:s29] =	ssyncadd.s32 $0xFFFFF000  }
0x6b: {  	[tilespmem:s18], [sflag:$0x2] =	stream.indirect.gather [spmem:s2], $0x20, s9, s16, $0xb8;
	[tilespmem:$0x10000] =	vst v63  }
0x6c: {  	_ =	swait.ge [sflag:s30], $0x1000  }
0x6d: {  	[sflag:s30] =	ssyncset.done $0x0  }
.Ltmp0:
0x6e: {  	s9 =	sadd.s32 $0x300, s14;
	[sflag:s30] =	ssyncadd.s32 $0xFFFFF000;
	(pc) =	sbr.rel @p0 .LBB2_3-.Ltmp0, $4  }
0x6f: {  	[tilespmem:s20], [sflag:$0x3] =	stream.indirect.gather [spmem:s2], $0x20, s9, s16, $0xb8;
	[tilespmem:$0x10000] =	vst v63  }
0x70: {  	_ =	swait.ge [sflag:s31], $0x1000  }
0x71: {  	[sflag:s31] =	ssyncset.done $0x0  }
0x72: {  	s14 =	sadd.s32 $0x380, s14;
	[sflag:s31] =	ssyncadd.s32 $0xFFFFF000  }
0x73: {  	[tilespmem:s22], [sflag:$0x4] =	stream.indirect.gather [spmem:s2], $0x20, s14, s16, $0xb8;
	[tilespmem:$0x10000] =	vst v63  }
0x74: {  	_ =	swait.ge [sflag:s23], $0x1000  }
0x75: {  	[sflag:s23] =	ssyncset.done $0x0  }
0x76: {  	[sflag:s23] =	ssyncadd.s32 $0xFFFFF000  }
0x77: {  	[spmem:s3] =	stream.indirect.scatter.add.f32 [tilespmem:s17], [sflag:$0x5], $0x20, s0, s16, $0xb8;
	[tilespmem:$0x10000] =	vst v63  }
0x78: {  	_ =	swait.ge [sflag:s24], $0x1000  }
0x79: {  	[sflag:s24] =	ssyncset.done $0x0  }
0x7a: {  	[sflag:s24] =	ssyncadd.s32 $0xFFFFF000  }
0x7b: {  	[spmem:s3] =	stream.indirect.scatter.add.f32 [tilespmem:s18], [sflag:$0x6], $0x20, s1, s16, $0xb8;
	[tilespmem:$0x10000] =	vst v63  }
0x7c: {  	_ =	swait.ge [sflag:s25], $0x1000  }
0x7d: {  	[sflag:s25] =	ssyncset.done $0x0  }
0x7e: {  	[sflag:s25] =	ssyncadd.s32 $0xFFFFF000  }
0x7f: {  	[spmem:s3] =	stream.indirect.scatter.add.f32 [tilespmem:s20], [sflag:$0x7], $0x20, s10, s16, $0xb8;
	[tilespmem:$0x10000] =	vst v63  }
0x80: {  	_ =	swait.ge [sflag:s26], $0x1000  }
0x81: {  	[sflag:s26] =	ssyncset.done $0x0  }
0x82: {  	[sflag:s26] =	ssyncadd.s32 $0xFFFFF000  }
0x83: {  	[spmem:s3] =	stream.indirect.scatter.add.f32 [tilespmem:s22], [sflag:$0x8], $0x20, s11, s16, $0xb8;
	[tilespmem:$0x10000] =	vst v63  }
0x84: {  	_ =	swait.ge [sflag:s28], $0x1000  }
0x85: {  	[sflag:s28] =	ssyncset.done $0x0  }
0x86: {  	[sflag:s28] =	ssyncadd.s32 $0xFFFFF000  }
0x87: {  	_ =	swait.ge [sflag:s29], $0x1000  }
0x88: {  	[sflag:s29] =	ssyncset.done $0x0  }
0x89: {  	s12 =	sadd.s32 $0x1, s12;
	[sflag:s29] =	ssyncadd.s32 $0xFFFFF000  }
0x8a: {  	p0 =	sne.s32 s12, $0x5;
	_ =	swait.ge [sflag:s30], $0x1000  }
.Ltmp1:
0x8b: {  	[sflag:s30] =	ssyncset.done $0x0;
	(pc) =	sbr.rel @p0 .LBB2_2-.Ltmp1, $4  }
0x8c: {  	[sflag:s30] =	ssyncadd.s32 $0xFFFFF000  }
0x8d: {  	_ =	swait.ge [sflag:s31], $0x1000  }
0x8e: {  	[sflag:s31] =	ssyncset.done $0x0  }
0x8f: {  	[sflag:s31] =	ssyncadd.s32 $0xFFFFF000  }
0x90: {  	[bflag:$0x0] =	sbarrier.arrive $0xFFFF  }
0x91: {  	s9 =	rddreg [dreg:$0x5]  }
0x92: {  	s8 =	rddreg [dreg:$0x6]  }
0x93: {  	s14 =	rddreg [dreg:$0x9]  }
0x94: {  	[hbm:s8], [sflag:s9] =	dma.local [spmem:s14], $0xA00  }
0x95: {  	_ =	swait.ge [sflag:s13], $0xA00  }
0x96: {  	s4 =	sadd.s32 $0x1, s4;
	s12 =	rddreg [dreg:$0x7]  }
0x97: {  	p0 =	sne.s32 s4, s12  }
.Ltmp2:
0x98: {  	_ = 	snop;
	(pc) =	sbr.rel @p0 .LBB2_1-.Ltmp2, $3  }
0x99: {  	_ =	sdelay $0x1  }
0x9a: {  	[sflag:s13] =	ssyncset.done $0x0  }
0x9b: {  	[sflag:s13] =	ssyncadd.s32 $0xFFFFF600  }
0x9c: {  	_ =	sfence.sel $0x180000  }
0x9d: {  	[bflag:$0x0] =	sbarrier.arrive $0xFFFF  }
0x9e: {  	_ =	strace $0x9000004D  }
0x9f: {  	s0 =	stileid.u32;
	[bflag:$0x2] =	sbarrier.arrive $0xFFFF  }
0xa0: {  	p0 =	sne.s32 s0, $0x0;
	s0 =	rddreg [dreg:$0x3]  }
0xa1: {  	s0 =	sadd.s32 @!p0 $0x100000, s0  }
0xa2: {  	[sflag:s0] =	ssyncadd.tile.s32 @!p0 $0x1;
	_ =	shalt  }
.Lfunc_end2:
_tile_overlayer_lowered:
.L_overlay_start_2:
0xa3: {  	(tag) =	ssettag $0x2  }
0xa4: {  	s0 =	rddreg [dreg:$0x0];
	s2 =	stileid.u32  }
0xa5: {  	s1 =	rddreg [dreg:$0x1];
	p0 =	sne.s32 s2, $0x0  }
0xa6: {  	s3 =	rddreg [dreg:$0x2];
	[bflag:$0x3] =	sbarrier.arrive $0xFFFF;
	s2 =	simm.s32 @!p0 $0x1C09  }
0xa7: {  	[timem:s3], [sflag:s2] =	dma.local @!p0 [hbm:s0], s1  }
0xa8: {  	s0 =	simm.s32 @!p0 $0x9  }
0xa9: {  	_ =	swait.ge @!p0 [sflag:s0], s1  }
0xaa: {  	s1 =	ssub.s32 @!p0 $0x0, s1;
	[sflag:s0] =	ssyncset.done @!p0 $0x0  }
0xab: {  	[sflag:s0] =	ssyncadd.s32 @!p0 s1  }
0xac: {  	[bflag:$0x3] =	sbarrier.arrive $0xFFFF  }
0xad: {  	_ =	shalt  }

// kernel: kernel.9.cloned.1.call-start
scs
__scs_entry_jumppad:
0x0: {  	(pc) =	sbr.rel $0x88, $3  }
0x1: {  	(tag) =	ssettag $0x0;
	lr =	simm.s32 $0x1  }
0x2: {  	[smem:$0x3F99] =	sst lr;
	_ =	strace $0xD0000000  }
0x3: {  	_ = 	snop  }
0x4: {  	_ = 	snop  }
0x5: {  	_ = 	snop  }
0x6: {  	_ = 	snop  }
0x7: {  	_ = 	snop  }
__scs_overlays_trampoline_lowered:
0x8: {  	[smem:$0x3FA8] =	sst s0  }
0x9: {  	[smem:$0x3FA9] =	sst s1  }
0xa: {  	[smem:$0x3FAA] =	sst s2  }
0xb: {  	[smem:$0x3FAB] =	sst s3  }
0xc: {  	[smem:$0x3FAC] =	sst s4  }
0xd: {  	[smem:$0x3FAD] =	sst s5  }
0xe: {  	[smem:$0x3FAE] =	sst s6  }
0xf: {  	[smem:$0x3FAF] =	sst s7  }
0x10: {  	[smem:$0x3FB0] =	sst s8  }
0x11: {  	[smem:$0x3FB1] =	sst s9;
	s0 =	simm.s32 @!p0 $0x0  }
0x12: {  	s1 =	sld [smem:$0x3F97];
	s0 =	simm.s32 @p0 $0x1  }
0x13: {  	[smem:$0x3FB2] =	sst s0;
	s0 =	simm.s32 @!p1 $0x0  }
0x14: {  	s2 =	sld [smem:$0x3F96];
	s0 =	simm.s32 @p1 $0x1  }
0x15: {  	[smem:$0x3FB3] =	sst s0;
	s0 =	simm.s32 @!p2 $0x0  }
0x16: {  	s3 =	sld [smem:$0x3FDB];
	s0 =	simm.s32 @p2 $0x1  }
0x17: {  	s4 =	simm.s32 $0x1BF5;
	[smem:$0x3FB5] =	sst s0  }
0x18: {  	s0 =	sld [smem:$0x3F98];
	_ =	swait.ge [sflag:s4], $0x0  }
0x19: {  	s7 =	sld [smem:$0x3F99]  }
0x1a: {  	s8 =	sadd.s32 $0xFFFFE003, lr  }
0x1b: {  	s9 =	sadd.s32 $0xFFFFFEF7, lr;
	s5 =	simm.s32 $0xFFFFFFFF;
	p2 =	slt.u32 s8, $0xFFFFF086  }
0x1c: {  	p1 =	slt.u32 s9, $0xF7A;
	s5 =	simm.s32 @!p2 $0x0  }
0x1d: {  	s5 =	simm.s32 @p1 $0x1;
	p0 =	seq.s32 s7, s2  }
0x1e: {  	s7 =	smul.u32 @!p0 $0xF7A, s2;
	p2 =	seq.s32 @!p0 s5, $0x0  }
0x1f: {  	s9 =	smul.u32 $0xF7A, s1;
	s8 =	simm.s32 @!p0 $0x1BF5;
	p2 =	por !p2, p0  }
0x20: {  	[sflag:s8] =	ssyncset.s32 @!p0 $0xFFFFF086;
	s6 =	sadd.s32 @!p0 s3, s7;
	s7 =	simm.s32 @!p0 $0x108  }
0x21: {  	s3 =	sadd.s32 s3, s9;
	s6 =	sadd.s32 @!p0 $0x88, s6;
	s7 =	simm.s32 @p2 $0x1082  }
0x22: {  	[simem:s7], [sflag:s8] =	dma.local @!p0 [hbm:s6], $0xF7A  }
0x23: {  	s9 =	sor.u32 $0xD0000000, s2;
	s6 =	simm.s32 $0x108;
	_ =	swait.ge @!p0 [sflag:s8], $0x0  }
0x24: {  	s3 =	sadd.s32 $0x88, s3;
	s6 =	simm.s32 @!p1 $0x1082;
	[sflag:s4] =	ssyncset.s32 $0xFFFFF086  }
0x25: {  	[simem:s6], [sflag:s4] =	dma.local [hbm:s3], $0xF7A  }
0x26: {  	[smem:$0x3F99] =	sst s1;
	(tag) =	ssettag s2;
	_ =	strace s9  }
0x27: {  	s1 =	sld [smem:$0x3FA9]  }
0x28: {  	s2 =	sld [smem:$0x3FAA]  }
0x29: {  	s4 =	sld [smem:$0x3FAC]  }
0x2a: {  	p0 =	seq.s32 s5, $0x0;
	s5 =	sld [smem:$0x3FAD]  }
0x2b: {  	s6 =	sld [smem:$0x3FAE]  }
0x2c: {  	s7 =	sld [smem:$0x3FAF]  }
0x2d: {  	s3 =	simm.s32 $0x108;
	s8 =	sld [smem:$0x3FB0]  }
0x2e: {  	s3 =	simm.s32 @!p0 $0x1082;
	s9 =	sld [smem:$0x3FB1]  }
0x2f: {  	lr =	sadd.s32 s0, s3;
	s0 =	sld [smem:$0x3FA8]  }
0x30: {  	s3 =	sld [smem:$0x3FAB]  }
0x31: {  	[smem:$0x3FB4] =	sst s10  }
0x32: {  	s10 =	sld [smem:$0x3FB2];
	_ =	sdelay $0x3  }
0x33: {  	p0 =	seq.s32 s10, $0x1;
	s10 =	sld [smem:$0x3FB4];
	_ =	sdelay $0x3  }
0x34: {  	[smem:$0x3FB4] =	sst s10  }
0x35: {  	s10 =	sld [smem:$0x3FB3];
	_ =	sdelay $0x3  }
0x36: {  	p1 =	seq.s32 s10, $0x1;
	s10 =	sld [smem:$0x3FB4];
	_ =	sdelay $0x3  }
0x37: {  	[smem:$0x3FB4] =	sst s10  }
0x38: {  	s10 =	sld [smem:$0x3FB5]  }
0x39: {  	_ = 	snop;
	(pc) =	sbr.ind lr, $3  }
0x3a: {  	_ = 	snop  }
0x3b: {  	_ = 	snop  }
0x3c: {  	p2 =	seq.s32 s10, $0x1;
	s10 =	sld [smem:$0x3FB4]  }
0x3d: {  	_ =	shalt  }
0x3e: {  	_ =	shalt  }
0x3f: {  	_ =	shalt  }
0x40: {  	_ =	shalt  }
0x41: {  	_ =	shalt  }
0x42: {  	_ =	shalt  }
0x43: {  	_ =	shalt  }
0x44: {  	_ =	shalt  }
0x45: {  	_ =	shalt  }
0x46: {  	_ =	shalt  }
0x47: {  	_ =	shalt  }
0x48: {  	_ =	shalt  }
0x49: {  	_ =	shalt  }
0x4a: {  	_ =	shalt  }
0x4b: {  	_ =	shalt  }
0x4c: {  	_ =	shalt  }
0x4d: {  	_ =	shalt  }
0x4e: {  	_ =	shalt  }
0x4f: {  	_ =	shalt  }
0x50: {  	_ =	shalt  }
0x51: {  	_ =	shalt  }
0x52: {  	_ =	shalt  }
0x53: {  	_ =	shalt  }
0x54: {  	_ =	shalt  }
0x55: {  	_ =	shalt  }
0x56: {  	_ =	shalt  }
0x57: {  	_ =	shalt  }
0x58: {  	_ =	shalt  }
0x59: {  	_ =	shalt  }
0x5a: {  	_ =	shalt  }
0x5b: {  	_ =	shalt  }
0x5c: {  	_ =	shalt  }
0x5d: {  	_ =	shalt  }
0x5e: {  	_ =	shalt  }
0x5f: {  	_ =	shalt  }
0x60: {  	_ =	shalt  }
0x61: {  	_ =	shalt  }
0x62: {  	_ =	shalt  }
0x63: {  	_ =	shalt  }
0x64: {  	_ =	shalt  }
0x65: {  	_ =	shalt  }
0x66: {  	_ =	shalt  }
0x67: {  	_ =	shalt  }
0x68: {  	_ =	shalt  }
0x69: {  	_ =	shalt  }
0x6a: {  	_ =	shalt  }
0x6b: {  	_ =	shalt  }
0x6c: {  	_ =	shalt  }
0x6d: {  	_ =	shalt  }
0x6e: {  	_ =	shalt  }
0x6f: {  	_ =	shalt  }
0x70: {  	_ =	shalt  }
0x71: {  	_ =	shalt  }
0x72: {  	_ =	shalt  }
0x73: {  	_ =	shalt  }
0x74: {  	_ =	shalt  }
0x75: {  	_ =	shalt  }
0x76: {  	_ =	shalt  }
0x77: {  	_ =	shalt  }
0x78: {  	_ =	shalt  }
0x79: {  	_ =	shalt  }
0x7a: {  	_ =	shalt  }
0x7b: {  	_ =	shalt  }
0x7c: {  	_ =	shalt  }
0x7d: {  	_ =	shalt  }
0x7e: {  	_ =	shalt  }
0x7f: {  	_ =	shalt  }
0x80: {  	_ =	shalt  }
0x81: {  	_ =	shalt  }
0x82: {  	_ =	shalt  }
0x83: {  	_ =	shalt  }
0x84: {  	_ =	shalt  }
0x85: {  	_ =	shalt  }
0x86: {  	_ =	shalt  }
0x87: {  	_ =	shalt  }
.Lfunc_end0:
.L_simem_size_0:
called_computation_lowered:
.L_overlay_start_0:
0x88: {  	s2 =	sld [smem:$0x3FD9]  }
0x89: {  	s3 =	sld [smem:$0x3FFE];
	_ =	sdelay $0x1  }
0x8a: {  	s1 =	srdreg.scid  }
0x8b: {  	s0 =	sand.u32 $0x1, s1  }
0x8c: {  	s17 =	sshll.u32 s0, $0xA;
	s2 =	sadd.s32 s3, s2  }
0x8d: {  	s2 =	sadd.s32 s2, s17  }
0x8e: {  	[smem:$0x3FC0] =	sst s2  }
0x8f: {  	_ = 	snop  }
0x90: {  	s2 =	sld [smem:$0x3FD0];
	(tm) =	ssettm $0x1  }
0x91: {  	s18 =	sld [smem:$0x3FFB];
	_ =	sdelay $0x3  }
0x92: {  	_ =	strace s18  }
0x93: {  	s3 =	sld [smem:$0x3FFC];
	_ =	sdelay $0x3  }
0x94: {  	_ =	strace s3  }
0x95: {  	s3 =	sld [smem:$0x3FFD];
	_ =	sdelay $0x3  }
0x96: {  	_ =	strace s3  }
0x97: {  	_ =	strace $0x8FFFFFFF  }
0x98: {  	s19 =	sld [smem:$0x3FDB];
	_ =	sdelay $0x1  }
0x99: {  	s4 =	simm.s32 $_scs_section_size  }
0x9a: {  	s5 =	simm.s32 $_size__tile_overlayer_lowered;
	s6 =	simm.s32 $_tile_overlayer_lowered  }
0x9b: {  	s22 =	simm.s32 $0x1BFF;
	s21 =	sshll.u32 s6, $0x1;
	s3 =	sadd.s32 s4, s19  }
0x9c: {  	s7 =	simm.s32 $0x0;
	s20 =	sshll.u32 s5, $0x1;
	s5 =	sadd.s32 s21, s3  }
0x9d: {  	[timem:s7], [sflag:s22] =	dma.local [hbm:s5], s20  }
0x9e: {  	_ =	swait.ge [sflag:s22], s20  }
0x9f: {  	s4 =	ssub.s32 $0x0, s20;
	[sflag:s22] =	ssyncset.done $0x0  }
0xa0: {  	[sflag:s22] =	ssyncadd.s32 s4;
	_ =	sdelay $0x1  }
0xa1: {  	s23 =	simm.s32 $0x1B8B  }
0xa2: {  	_ =	swait.ge [sflag:s23], $0x1  }
0xa3: {  	[sflag:s23] =	ssyncset.done $0x0  }
0xa4: {  	s25 =	simm.s32 $0x1B8E;
	s24 =	sld [smem:$0x3FFE];
	[sflag:s23] =	ssyncadd.s32 $0xFFFFFFFF  }
0xa5: {  	s26 =	simm.s32 $execute0_lowered;
	[smem:$0x3FD2] =	sst s25  }
0xa6: {  	s5 =	sshll.u32 s26, $0x1;
	_ =	strace $0x80000046;
	[dreg:$0x1] =	wrdreg $0xFFFFFFFF  }
0xa7: {  	s28 =	simm.s32 $_size_execute0_lowered;
	s3 =	sadd.s32 s3, s5;
	[dreg:$0x0] =	wrdreg $0x0  }
0xa8: {  	s5 =	sshll.u32 s28, $0x1;
	[dreg:$0x2] =	wrdreg s3  }
0xa9: {  	[dreg:$0x3] =	wrdreg s5  }
0xaa: {  	[dreg:$0x4] =	wrdreg $0xC0  }
0xab: {  	_ =	task [dreg:s7], $0x5FFFF  }
0xac: {  	[dreg:$0x1] =	wrdreg $0xFFFFFFFF  }
0xad: {  	[dreg:$0x0] =	wrdreg $0x60  }
0xae: {  	[dreg:$0x2] =	wrdreg s24  }
0xaf: {  	[dreg:$0x3] =	wrdreg s2  }
0xb0: {  	[dreg:$0x4] =	wrdreg $0x28800  }
0xb1: {  	[dreg:$0x5] =	wrdreg $0x9  }
0xb2: {  	_ =	task.clear_ibuf [dreg:s7], $0x6FFFF;
	_ =	strace $0x90000046  }
0xb3: {  	s29 =	simm.s32 $0x9;
	_ =	strace $0x80000048  }
0xb4: {  	_ =	swait.ge [sflag:s29], $0x1  }
0xb5: {  	[sflag:s29] =	ssyncadd.s32 $0xFFFFFFFF  }
0xb6: {  	_ =	strace $0x90000048  }
0xb7: {  	_ =	sfence  }
0xb8: {  	s30 =	sld [smem:$0x0];
	_ =	sdelay $0x2  }
0xb9: {  	s31 =	sshll.u32 s1, $0xD;
	s1 =	sshrl.u32 s1, $0x2  }
0xba: {  	s3 =	sand.u32 $0x4000, s31;
	s1 =	sadd.s32 s1, s30  }
0xbb: {  	s0 =	sor.u32 s3, s0;
	s1 =	sshll.u32 s1, $0x11  }
0xbc: {  	s0 =	sor.u32 s1, s0  }
0xbd: {  	s0 =	sadd.s32 $0x8F2B, s0  }
0xbe: {  	[sflag:s0] =	ssyncadd.remote.s32 $0x1  }
0xbf: {  	_ =	sfence.sel $0xFFFF  }
0xc0: {  	[dreg:$0x0] =	wrdreg $0xFFFFFFFF;
	(pc) =	sbr.abs _section_cstart, $3  }
0xc1: {  	[dreg:$0x1] =	wrdreg $0xFFFFFFFF  }
0xc2: {  	_ =	task.clear_ibuf [dreg:s7], $0x2FFFF;
	_ =	strace $0x9FFFFFFF  }
0xc3: {  	(tm) =	ssettm $0x7FFFFFFF  }
tec
execute0_lowered:
.L_overlay_start_1:
0x0: {  	(tag) =	ssettag $0x1  }
0x1: {  	s5 =	rddreg [dreg:$0x0]  }
0x2: {  	s1 =	srdreg.scid;
	s2 =	rddreg [dreg:$0x1]  }
0x3: {  	s0 =	stileid.u32;
	s3 =	rddreg [dreg:$0x2]  }
0x4: {  	s4 =	simm.s32 $0x0;
	s13 =	simm.s32 $0x20;
	s14 =	simm.s32 $0x10  }
0x5: {  	s15 =	simm.s32 $0x0;
	s6 =	sand.u32 $0x1, s1;
	s8 =	smul.u32 $0x280, s0  }
0x6: {  	s28 =	sshll.u32 s0, $0x1;
	[smem:$0x7FF] =	sst s4;
	s9 =	smul.u32 $0x500, s0  }
0x7: {  	s31 =	sshll.u32 s0, $0x6;
	s1 =	sor.u32 s6, s28;
	s10 =	sshll.u32 s6, $0x7  }
0x8: {  	s6 =	ssub.s32 $0x2, s6;
	s7 =	smul.u32 $0x500, s1;
	s1 =	rddreg [dreg:$0x3]  }
0x9: {  	_ =	strace $0x80000047;
	s11 =	sshrl.u32 s8, $0x3;
	s9 =	sor.u32 s10, s9  }
0xa: {  	s30 =	sshrl.u32 s6, $0x1;
	s12 =	sadd.s32 s8, s3;
	s29 =	sadd.s32 s11, s5  }
0xb: {  	s9 =	sshrl.u32 s9, $0x3;
	s11 =	ssub.s32 s6, s30;
	s6 =	sor.u32 $0x1C01, s31  }
0xc: {  	s10 =	sshrl.u32 s12, $0x3;
	s12 =	simm.s32 $0x80;
	s7 =	sadd.s32 s7, s5  }
0xd: {  	s9 =	sadd.s32 s9, s5;
	s5 =	sadd.s32 $0x15E00, s29;
	s7 =	sadd.s32 $0x1E00, s7  }
0xe: {  	s8 =	sadd.s32 $0x16400, s9;
	s9 =	smax.u32 s11, $0x1;
	s11 =	simm.s32 $0x1  }
.LBB2_1:
0xf: {  	[spmem:s10], [sflag:s6] =	dma.local [hbm:s5], $0x50  }
0x10: {  	_ =	swait.ge [sflag:s11], $0x50  }
0x11: {  	[sflag:s11] =	ssyncset.done $0x0  }
0x12: {  	[sflag:s11] =	ssyncadd.s32 $0xFFFFFFB0  }
0x13: {  	[tilespmem:s4], [sflag:$0x1] =	stream.linear.gather [hbm4b:s2+s4], $0x80, $0x38;
	[tilespmem:$0x2B00] =	vst v63  }
0x14: {  	_ =	swait.ge [sflag:s11], $0x80  }
0x15: {  	[sflag:s11] =	ssyncset.done $0x0  }
0x16: {  	[sflag:s11] =	ssyncadd.s32 $0xFFFFFF80  }
0x17: {  	[tilespmem:s12], [sflag:$0x1] =	stream.linear.gather [hbm4b:s7+s4], $0x2800, $0x38;
	[tilespmem:$0x2B00] =	vst v63  }
0x18: {  	_ =	swait.ge [sflag:s11], $0x2800  }
0x19: {  	[sflag:s11] =	ssyncset.done $0x0  }
0x1a: {  	[sflag:s11] =	ssyncadd.s32 $0xFFFFD800  }
0x1b: {  	s16 =	simm.s32 $0x80;
	[bflag:$0x0] =	sbarrier.arrive $0xFFFF  }
0x1c: {  	[spmem:s3] =	stream.indirect.scatter.add.f32 [tilespmem:s4], [sflag:$0x1], $0x1, s16, s12, $0xb8;
	[tilespmem:$0x2B00] =	vst v63  }
0x1d: {  	s16 =	simm.s32 $0x200;
	_ =	swait.ge [sflag:s11], $0x80  }
.LBB2_2:
0x1e: {  	s17 =	sshra.s32 s16, $0x2;
	[sflag:s11] =	ssyncset.done $0x0;
	p0 =	sne.s32 s16, $0x9E00  }
.Ltmp0:
0x1f: {  	s17 =	sadd.s32 $0x80, s17;
	[sflag:s11] =	ssyncadd.s32 $0xFFFFFF80;
	(pc) =	sbr.rel @p0 .LBB2_2-.Ltmp0, $3  }
0x20: {  	[spmem:s3] =	stream.indirect.scatter.add.f32 [tilespmem:s4], [sflag:$0x1], $0x1, s17, s12, $0xb8;
	[tilespmem:$0x2B00] =	vst v63  }
0x21: {  	s16 =	sadd.s32 $0x200, s16;
	_ =	sdelay $0x1  }
0x22: {  	_ =	swait.ge [sflag:s11], $0x80  }
0x23: {  	[sflag:s11] =	ssyncset.done $0x0;
	s15 =	sadd.s32 $0x1, s15  }
0x24: {  	[sflag:s11] =	ssyncadd.s32 $0xFFFFFF80;
	p0 =	sne.s32 s15, s9  }
.Ltmp1:
0x25: {  	[bflag:$0x0] =	sbarrier.arrive $0xFFFF;
	(pc) =	sbr.rel @p0 .LBB2_1-.Ltmp1, $4  }
0x26: {  	[hbm:s8@s13], [sflag:s6] =	dma.strided [spmem:s10@s14], $0x50, s11, $0x10   }
0x27: {  	_ =	swait.ge [sflag:s11], $0x50  }
0x28: {  	[sflag:s11] =	ssyncset.done $0x0  }
0x29: {  	[sflag:s11] =	ssyncadd.s32 $0xFFFFFFB0  }
0x2a: {  	_ =	sfence.sel $0x180000  }
0x2b: {  	[bflag:$0x0] =	sbarrier.arrive $0xFFFF  }
0x2c: {  	p0 =	sne.s32 s0, $0x0;
	_ =	strace $0x90000047  }
0x2d: {  	s0 =	sadd.s32 @!p0 $0x100000, s1;
	[bflag:$0x2] =	sbarrier.arrive $0xFFFF  }
0x2e: {  	[sflag:s0] =	ssyncadd.tile.s32 @!p0 $0x1;
	_ =	shalt  }
.Lfunc_end2:
_tile_overlayer_lowered:
.L_overlay_start_2:
0x2f: {  	(tag) =	ssettag $0x2  }
0x30: {  	s0 =	rddreg [dreg:$0x0];
	s2 =	stileid.u32  }
0x31: {  	s1 =	rddreg [dreg:$0x1];
	p0 =	sne.s32 s2, $0x0  }
0x32: {  	s3 =	rddreg [dreg:$0x2];
	[bflag:$0x3] =	sbarrier.arrive $0xFFFF;
	s2 =	simm.s32 @!p0 $0x1C01  }
0x33: {  	[timem:s3], [sflag:s2] =	dma.local @!p0 [hbm:s0], s1  }
0x34: {  	s0 =	simm.s32 @!p0 $0x1  }
0x35: {  	_ =	swait.ge @!p0 [sflag:s0], s1  }
0x36: {  	s1 =	ssub.s32 @!p0 $0x0, s1;
	[sflag:s0] =	ssyncset.done @!p0 $0x0  }
0x37: {  	[sflag:s0] =	ssyncadd.s32 @!p0 s1  }
0x38: {  	[bflag:$0x3] =	sbarrier.arrive $0xFFFF  }
0x39: {  	_ =	shalt  }

</sc_bundles>
